<compile_context>
chip_gen: v7x
topology: tpu7x:2x2x1
jax: 0.10.2.dev20260603
libtpu: 0.0.44.dev20260713+nightly
codegen_flags: <defaults>
</compile_context>

<pallas_src>
import functools

import jax
import jax.numpy as jnp
from jax import lax
from jax.experimental import pallas as pl
from jax.experimental.pallas import tpu as pltpu
from jax.experimental.pallas import tpu_sc as plsc

_BS = 8
_DIM = 768
_LMAX = 96
_MARGIN = 1.0
_EPS2 = 1e-16
_NCHUNK = _DIM // 16
_JQ = _LMAX // 4


def _rsqrt_newton(x):
    i = lax.bitcast_convert_type(x, jnp.int32)
    i = jnp.int32(0x5F3759DF) - (i >> 1)
    y = lax.bitcast_convert_type(i, jnp.float32)
    for _ in range(3):
        y = y * (1.5 - 0.5 * x * y * y)
    return y


def _sc_body(anchor_hbm, pos_hbm, neg_hbm, plen_hbm, nlen_hbm,
             out_hbm,
             plen_v, nlen_v, off_v, idxp_v, idxn_v, anchor_v,
             rows_v, dist_v, dn_v, red_v, dots2d_v, nn2d_v,
             shared, seml, sema, semp, semn):
    c = lax.axis_index("c")
    s = lax.axis_index("s")
    seg = c * 4 + s // 4
    seg_local = s // 4
    q = s % 4
    lanes16 = jnp.arange(16, dtype=jnp.int32)
    seg_idx = jnp.full((16,), seg, jnp.int32)
    lane15 = jnp.full((16,), 15, jnp.int32)
    zeros16 = jnp.zeros((16,), jnp.int32)

    cp_a = pltpu.async_copy(anchor_hbm, anchor_v, sema)

    plen_v[...] = zeros16
    nlen_v[...] = zeros16
    cp_l0 = pltpu.async_copy(plen_hbm, plen_v.at[pl.ds(0, _BS)], seml)
    cp_l1 = pltpu.async_copy(nlen_hbm, nlen_v.at[pl.ds(0, _BS)], seml)
    cp_l0.wait()
    cp_l1.wait()
    plens = plen_v[...]
    nlens = nlen_v[...]
    off_v[0] = plsc.cumsum(plens) - plens
    off_v[1] = plsc.cumsum(nlens) - nlens
    p_offb = plsc.load_gather(off_v, [zeros16, seg_idx])
    n_offb = plsc.load_gather(off_v, [zeros16 + 1, seg_idx])

    base = q * _JQ
    idxp_v[pl.ds(0, 16)] = p_offb + base + lanes16
    idxp_v[pl.ds(8, 16)] = p_offb + base + 8 + lanes16
    idxn_v[pl.ds(0, 16)] = n_offb + base + lanes16
    idxn_v[pl.ds(8, 16)] = n_offb + base + 8 + lanes16

    cp_p = pltpu.async_copy(pos_hbm.at[idxp_v], rows_v.at[pl.ds(0, _JQ)], semp)
    cp_n = pltpu.async_copy(neg_hbm.at[idxn_v], rows_v.at[pl.ds(_JQ, _JQ)], semn)

    cp_a.wait()
    def na_body(cg, na):
        for cc in range(4):
            av = anchor_v[seg, pl.ds((cg * 4 + cc) * 16, 16)]
            na = na + av * av
        return na

    na_acc = lax.fori_loop(0, _NCHUNK // 4, na_body,
                           jnp.zeros((16,), jnp.float32))
    dots2d_v[0] = plsc.cumsum(na_acc)
    na2b = plsc.load_gather(dots2d_v, [zeros16, lane15])
    inv_na = _rsqrt_newton(jnp.maximum(na2b, _EPS2))

    def row_body(rp, carry):
        r0 = rp * 4
        def chunk_body(cg, carry):
            d0, d1, d2, d3, n0, n1, n2, n3 = carry
            d = [d0, d1, d2, d3]
            n = [n0, n1, n2, n3]
            for cc in range(4):
                av = anchor_v[seg, pl.ds((cg * 4 + cc) * 16, 16)]
                for u in range(4):
                    xv = rows_v[r0 + u, pl.ds((cg * 4 + cc) * 16, 16)]
                    d[u] = d[u] + av * xv
                    n[u] = n[u] + xv * xv
            return tuple(d) + tuple(n)

        z = jnp.zeros((16,), jnp.float32)
        cres = lax.fori_loop(0, _NCHUNK // 4, chunk_body, (z,) * 8)
        d = list(cres[:4])
        n = list(cres[4:])
        for u in range(4):
            dots2d_v[r0 + u] = plsc.cumsum(d[u])
            nn2d_v[r0 + u] = plsc.cumsum(n[u])
        return carry

    cp_p.wait()
    cp_n.wait()
    lax.fori_loop(0, _JQ // 2, row_body, 0)
    def dist_body(g, carry):
        lo = lanes16 + g * 16
        dotv = plsc.load_gather(dots2d_v, [lo, lane15])
        nnv = plsc.load_gather(nn2d_v, [lo, lane15])
        inv_nx = _rsqrt_newton(jnp.maximum(nnv, _EPS2))
        dist_v[pl.ds(g * 16, 16)] = 1.0 - dotv * inv_nx * inv_na
        return carry

    lax.fori_loop(0, 3, dist_body, 0)

    cp_d0 = pltpu.async_copy(dist_v.at[pl.ds(0, _JQ)],
                             shared.at[seg_local, 0, q, pl.ds(0, _JQ)], seml)
    cp_d1 = pltpu.async_copy(dist_v.at[pl.ds(_JQ, _JQ)],
                             shared.at[seg_local, 1, q, pl.ds(0, _JQ)], seml)
    cp_d0.wait()
    cp_d1.wait()
    plsc.subcore_barrier()

    cp_f = [pltpu.async_copy(shared.at[seg_local, 1, t, pl.ds(0, _JQ)],
                             dn_v.at[pl.ds(t * _JQ, _JQ)], seml)
            for t in range(4)]
    for cp in cp_f:
        cp.wait()

    plb = plsc.load_gather(plen_v, [seg_idx])
    nlb = plsc.load_gather(nlen_v, [seg_idx])
    zero16f = jnp.zeros((16,), jnp.float32)

    def hinge_j(j, acc):
        dpj = plsc.load_gather(dist_v, [jnp.full((16,), j, jnp.int32)])
        jmask = jnp.full((16,), base + j, jnp.int32) < plb

        def k_body(kc, a):
            dnk = dn_v[pl.ds(kc * 16, 16)]
            kmask = (lanes16 + kc * 16) < nlb
            h = jnp.maximum(dpj - dnk + _MARGIN, 0.0)
            return a + jnp.where(jmask & kmask, h, zero16f)

        return lax.fori_loop(0, _LMAX // 16, k_body, acc)

    acc = lax.fori_loop(0, _JQ, hinge_j, jnp.zeros((16,), jnp.float32))

    wid = c * 16 + s
    red_v[...] = acc
    pltpu.sync_copy(red_v, out_hbm.at[pl.ds(wid * 16, 16)])

    @pl.when((s == 0) & (c == 0))
    def _():
        red_v[...] = (plens * nlens).astype(jnp.float32)
        pltpu.sync_copy(red_v, out_hbm.at[pl.ds(512, 16)])


@jax.jit
def _wsdm_sc(anchor, positive, negative, plens, nlens):
    mesh = plsc.VectorSubcoreMesh(core_axis_name="c", subcore_axis_name="s")
    kern = functools.partial(
        pl.kernel,
        out_type=jax.ShapeDtypeStruct((528,), jnp.float32),
        mesh=mesh,
        compiler_params=pltpu.CompilerParams(needs_layout_passes=False),
        scratch_types=[
            pltpu.VMEM((16,), jnp.int32),
            pltpu.VMEM((16,), jnp.int32),
            pltpu.VMEM((2, 16), jnp.int32),
            pltpu.VMEM((_JQ,), jnp.int32),
            pltpu.VMEM((_JQ,), jnp.int32),
            pltpu.VMEM((_BS, _DIM), jnp.float32),
            pltpu.VMEM((2 * _JQ, _DIM), jnp.float32),
            pltpu.VMEM((2 * _JQ,), jnp.float32),
            pltpu.VMEM((_LMAX,), jnp.float32),
            pltpu.VMEM((16,), jnp.float32),
            pltpu.VMEM((2 * _JQ, 16), jnp.float32),
            pltpu.VMEM((2 * _JQ, 16), jnp.float32),
            pltpu.VMEM_SHARED((4, 2, 4, 128), jnp.float32),
            pltpu.SemaphoreType.DMA,
            pltpu.SemaphoreType.DMA,
            pltpu.SemaphoreType.DMA,
            pltpu.SemaphoreType.DMA,
        ],
    )(_sc_body)
    return kern(anchor, positive, negative, plens, nlens)


def kernel(anchor, positive, negative, positive_lens, negative_lens):
    out = _wsdm_sc(anchor, positive, negative,
                   positive_lens.astype(jnp.int32),
                   negative_lens.astype(jnp.int32))
    sums = jnp.sum(out.reshape(33, 16), axis=1)
    return jnp.sum(sums[:32]) / sums[32]

# --- scband reference (transcript-rebuilt; emitter-appended) ---
"""Pipeline reference for scband-wsdm-triplet-loss-39556648796742 (READ-ONLY COPY).

The authoritative reference and input builder live on the scoring server;
editing this copy changes nothing except your own understanding.
"""

import jax, jax.numpy as jnp
import numpy as np

BS, DIM, LMAX = 8, 768, 96
MARGIN = 1.0
EPS = 1e-8

def setup_inputs(seed: int = 0) -> dict:
    key = jax.random.key(seed)
    k0, k1, k2, k3, k4 = jax.random.split(key, 5)
    anchor = jax.random.normal(k0, (BS, DIM), dtype=jnp.float32)
    positive = jax.random.normal(k1, (BS * LMAX, DIM), dtype=jnp.float32)
    negative = jax.random.normal(k2, (BS * LMAX, DIM), dtype=jnp.float32)
    positive_lens = jax.random.randint(k3, (BS,), 0, LMAX, dtype=jnp.int64 if jax.config.jax_enable_x64 else jnp.int32)
    negative_lens = jax.random.randint(k4, (BS,), 0, LMAX, dtype=jnp.int64 if jax.config.jax_enable_x64 else jnp.int32)
    return {"anchor": anchor, "positive": positive, "negative": negative,
            "positive_lens": positive_lens, "negative_lens": negative_lens}

def _cosine_similarity(x, y):
    dot = jnp.sum(x * y, axis=-1)
    xn = jnp.sqrt(jnp.sum(x * x, axis=-1))
    yn = jnp.sqrt(jnp.sum(y * y, axis=-1))
    denom = jnp.maximum(xn, EPS) * jnp.maximum(yn, EPS)
    return dot / denom

def reference(anchor, positive, negative, positive_lens, negative_lens):
    pl = positive_lens
    nl = negative_lens
    bs = anchor.shape[0]
    lmax = positive.shape[0] // bs
    # exclusive-cumsum segment offsets into positive / negative row blocks
    p_off = jnp.cumsum(pl) - pl
    n_off = jnp.cumsum(nl) - nl
    j = jnp.arange(lmax)
    # gather per-segment rows into fixed (bs, lmax, dim) buffers (indices clamp under jit)
    pos_idx = p_off[:, None] + j[None, :]
    neg_idx = n_off[:, None] + j[None, :]
    P = jnp.take(positive, pos_idx, axis=0)
    N = jnp.take(negative, neg_idx, axis=0)
    A = anchor[:, None, :]
    # distances per (segment, row)
    dist_pos = 1.0 - _cosine_similarity(jnp.broadcast_to(A, P.shape), P)  # (bs, lmax)
    dist_neg = 1.0 - _cosine_similarity(jnp.broadcast_to(A, N.shape), N)  # (bs, lmax)
    # full pair grid: pair (i, j, k) matches original ordering (j outer, k inner)
    losses = jnp.maximum(dist_pos[:, :, None] - dist_neg[:, None, :] + MARGIN, 0.0)
    valid = (j[None, :, None] < pl[:, None, None]) & (j[None, None, :] < nl[:, None, None])
    total = jnp.sum(jnp.where(valid, losses, 0.0))
    count = jnp.sum(pl * nl).astype(losses.dtype)
    return total / count

if __name__ == "__main__":
    import jax
    _d = setup_inputs()
    print(jax.jit(kernel)(*tuple(_d.values())))

</pallas_src>

<mosaic_0001>
#map = affine_map<(d0, d1) -> (0, 0)>
#map1 = affine_map<(d0, d1) -> (0)>
module attributes {stable_mosaic.version = 14 : i64} {
  func.func @_sc_body(%arg0: i32, %arg1: i32, %arg2: memref<8x768xf32, #tpu.memory_space<hbm>>, %arg3: memref<768x768xf32, #tpu.memory_space<hbm>>, %arg4: memref<768x768xf32, #tpu.memory_space<hbm>>, %arg5: memref<8xi32, #tpu.memory_space<hbm>>, %arg6: memref<8xi32, #tpu.memory_space<hbm>>, %arg7: memref<528xf32, #tpu.memory_space<hbm>>, %arg8: memref<16xi32, #tpu.memory_space<vmem>>, %arg9: memref<16xi32, #tpu.memory_space<vmem>>, %arg10: memref<2x16xi32, #tpu.memory_space<vmem>>, %arg11: memref<24xi32, #tpu.memory_space<vmem>>, %arg12: memref<24xi32, #tpu.memory_space<vmem>>, %arg13: memref<8x768xf32, #tpu.memory_space<vmem>>, %arg14: memref<48x768xf32, #tpu.memory_space<vmem>>, %arg15: memref<48xf32, #tpu.memory_space<vmem>>, %arg16: memref<96xf32, #tpu.memory_space<vmem>>, %arg17: memref<16xf32, #tpu.memory_space<vmem>>, %arg18: memref<48x16xf32, #tpu.memory_space<vmem>>, %arg19: memref<48x16xf32, #tpu.memory_space<vmem>>, %arg20: memref<4x2x4x128xf32, #tpu.memory_space<vmem_shared>>, %arg21: memref<!tpu.dma_semaphore, #tpu.memory_space<semaphore_mem>>, %arg22: memref<!tpu.dma_semaphore, #tpu.memory_space<semaphore_mem>>, %arg23: memref<!tpu.dma_semaphore, #tpu.memory_space<semaphore_mem>>, %arg24: memref<!tpu.dma_semaphore, #tpu.memory_space<semaphore_mem>>) attributes {dimension_semantics = [#tpu.dimension_semantics<core_parallel>, #tpu.dimension_semantics<subcore_parallel>], iteration_bounds = array<i64: 2, 16>, scalar_prefetch = 0 : i64, scratch_operands = 17 : i64, tpu.core_type = #tpu.core_type<sc_vector_subcore>, window_params = [{transform_indices = #map}, {transform_indices = #map}, {transform_indices = #map}, {transform_indices = #map1}, {transform_indices = #map1}, {transform_indices = #map1}]} {
    %mul3A = arith.constant 4 : i32
    %mul3A_0 = arith.muli %arg0, %mul3A : i32
    %jit3A = arith.constant 4 : i32
    %div3A = arith.divsi %arg1, %jit3A : i32
    %sign3A = arith.constant 0 : i32
    %sign3A_1 = arith.cmpi sgt, %arg1, %sign3A : i32
    %sign3A_2 = arith.extui %sign3A_1 : i1 to i32
    %sign3A_3 = arith.constant 0 : i32
    %sign3A_4 = arith.cmpi slt, %arg1, %sign3A_3 : i32
    %sign3A_5 = arith.extui %sign3A_4 : i1 to i32
    %sign3A_6 = arith.subi %sign3A_2, %sign3A_5 : i32
    %sign3A_7 = arith.constant 0 : i32
    %sign3A_8 = arith.cmpi sgt, %jit3A, %sign3A_7 : i32
    %sign3A_9 = arith.extui %sign3A_8 : i1 to i32
    %sign3A_10 = arith.constant 0 : i32
    %sign3A_11 = arith.cmpi slt, %jit3A, %sign3A_10 : i32
    %sign3A_12 = arith.extui %sign3A_11 : i1 to i32
    %sign3A_13 = arith.subi %sign3A_9, %sign3A_12 : i32
    %ne3A = arith.cmpi ne, %sign3A_6, %sign3A_13 : i32
    %rem3A = arith.remsi %arg1, %jit3A : i32
    %ne3A_14 = arith.constant 0 : i32
    %ne3A_15 = arith.cmpi ne, %rem3A, %ne3A_14 : i32
    %and3A = arith.andi %ne3A, %ne3A_15 : i1
    %sub3A = arith.constant 1 : i32
    %sub3A_16 = arith.subi %div3A, %sub3A : i32
    %select_n3A = arith.select %and3A, %sub3A_16, %div3A : i32
    %add3A = arith.addi %mul3A_0, %select_n3A : i32
    %jit3A_17 = arith.constant 4 : i32
    %div3A_18 = arith.divsi %arg1, %jit3A_17 : i32
    %sign3A_19 = arith.constant 0 : i32
    %sign3A_20 = arith.cmpi sgt, %arg1, %sign3A_19 : i32
    %sign3A_21 = arith.extui %sign3A_20 : i1 to i32
    %sign3A_22 = arith.constant 0 : i32
    %sign3A_23 = arith.cmpi slt, %arg1, %sign3A_22 : i32
    %sign3A_24 = arith.extui %sign3A_23 : i1 to i32
    %sign3A_25 = arith.subi %sign3A_21, %sign3A_24 : i32
    %sign3A_26 = arith.constant 0 : i32
    %sign3A_27 = arith.cmpi sgt, %jit3A_17, %sign3A_26 : i32
    %sign3A_28 = arith.extui %sign3A_27 : i1 to i32
    %sign3A_29 = arith.constant 0 : i32
    %sign3A_30 = arith.cmpi slt, %jit3A_17, %sign3A_29 : i32
    %sign3A_31 = arith.extui %sign3A_30 : i1 to i32
    %sign3A_32 = arith.subi %sign3A_28, %sign3A_31 : i32
    %ne3A_33 = arith.cmpi ne, %sign3A_25, %sign3A_32 : i32
    %rem3A_34 = arith.remsi %arg1, %jit3A_17 : i32
    %ne3A_35 = arith.constant 0 : i32
    %ne3A_36 = arith.cmpi ne, %rem3A_34, %ne3A_35 : i32
    %and3A_37 = arith.andi %ne3A_33, %ne3A_36 : i1
    %sub3A_38 = arith.constant 1 : i32
    %sub3A_39 = arith.subi %div3A_18, %sub3A_38 : i32
    %select_n3A_40 = arith.select %and3A_37, %sub3A_39, %div3A_18 : i32
    %jit3A_41 = arith.constant 4 : i32
    %eq3A = arith.constant 0 : i32
    %eq3A_42 = arith.cmpi eq, %jit3A_41, %eq3A : i32
    %jit3A_43 = arith.constant 1 : i32
    %select_n3A_44 = arith.select %eq3A_42, %jit3A_43, %jit3A_41 : i32
    %rem3A_45 = arith.remsi %arg1, %select_n3A_44 : i32
    %ne3A_46 = arith.constant 0 : i32
    %ne3A_47 = arith.cmpi ne, %rem3A_45, %ne3A_46 : i32
    %lt3A = arith.constant 0 : i32
    %lt3A_48 = arith.cmpi slt, %rem3A_45, %lt3A : i32
    %lt3A_49 = arith.constant 0 : i32
    %lt3A_50 = arith.cmpi slt, %select_n3A_44, %lt3A_49 : i32
    %ne3A_51 = arith.xori %lt3A_48, %lt3A_50 : i1
    %and3A_52 = arith.andi %ne3A_51, %ne3A_47 : i1
    %add3A_53 = arith.addi %rem3A_45, %select_n3A_44 : i32
    %select_n3A_54 = arith.select %and3A_52, %add3A_53, %rem3A_45 : i32
    %iota3A = tpu.iota {dimensions = array<i32: 0>} : vector<16xi32>
    %broadcast_in_dim3A = vector.broadcast %add3A : i32 to vector<16xi32>
    %broadcast_in_dim3A_55 = arith.constant 15 : i32
    %broadcast_in_dim3A_56 = vector.broadcast %broadcast_in_dim3A_55 : i32 to vector<16xi32>
    %broadcast_in_dim3A_57 = arith.constant 0 : i32
    %broadcast_in_dim3A_58 = vector.broadcast %broadcast_in_dim3A_57 : i32 to vector<16xi32>
    tpu.enqueue_dma source(%arg2 : memref<8x768xf32, #tpu.memory_space<hbm>>) target(%arg13 : memref<8x768xf32, #tpu.memory_space<vmem>>) target_semaphore(%arg22 : memref<!tpu.dma_semaphore, #tpu.memory_space<semaphore_mem>>)
    %swap3A = arith.constant 0 : index
    %swap3A_59 = tpu.vector_load %arg8[%swap3A] {strides = array<i32>} : memref<16xi32, #tpu.memory_space<vmem>>, vector<16xi32>,
    tpu.vector_store %arg8[%swap3A], %broadcast_in_dim3A_58 {strides = array<i32>} : memref<16xi32, #tpu.memory_space<vmem>>, vector<16xi32>,
    %swap3A_60 = arith.constant 0 : index
    %swap3A_61 = tpu.vector_load %arg9[%swap3A_60] {strides = array<i32>} : memref<16xi32, #tpu.memory_space<vmem>>, vector<16xi32>,
    tpu.vector_store %arg9[%swap3A_60], %broadcast_in_dim3A_58 {strides = array<i32>} : memref<16xi32, #tpu.memory_space<vmem>>, vector<16xi32>,
    %dma_start3A = arith.constant 0 : i32
    %dma_start3A_62 = tpu.memref_slice %arg8[%dma_start3A] : memref<16xi32, #tpu.memory_space<vmem>> -> memref<8xi32, #tpu.memory_space<vmem>>
    %dma_start3A_63 = arith.constant 0 : i32
    %dma_start3A_64 = tpu.memref_slice %arg8[%dma_start3A_63] : memref<16xi32, #tpu.memory_space<vmem>> -> memref<8xi32, #tpu.memory_space<vmem>>
    tpu.enqueue_dma source(%arg5 : memref<8xi32, #tpu.memory_space<hbm>>) target(%dma_start3A_64 : memref<8xi32, #tpu.memory_space<vmem>>) target_semaphore(%arg21 : memref<!tpu.dma_semaphore, #tpu.memory_space<semaphore_mem>>)
    %dma_start3A_65 = arith.constant 0 : i32
    %dma_start3A_66 = tpu.memref_slice %arg9[%dma_start3A_65] : memref<16xi32, #tpu.memory_space<vmem>> -> memref<8xi32, #tpu.memory_space<vmem>>
    %dma_start3A_67 = arith.constant 0 : i32
    %dma_start3A_68 = tpu.memref_slice %arg9[%dma_start3A_67] : memref<16xi32, #tpu.memory_space<vmem>> -> memref<8xi32, #tpu.memory_space<vmem>>
    tpu.enqueue_dma source(%arg6 : memref<8xi32, #tpu.memory_space<hbm>>) target(%dma_start3A_68 : memref<8xi32, #tpu.memory_space<vmem>>) target_semaphore(%arg21 : memref<!tpu.dma_semaphore, #tpu.memory_space<semaphore_mem>>)
    %dma_wait3A = arith.constant 0 : i32
    %dma_wait3A_69 = tpu.memref_slice %arg8[%dma_wait3A] : memref<16xi32, #tpu.memory_space<vmem>> -> memref<8xi32, #tpu.memory_space<vmem>>
    %dma_wait3A_70 = arith.constant 0 : i32
    %dma_wait3A_71 = tpu.memref_slice %arg8[%dma_wait3A_70] : memref<16xi32, #tpu.memory_space<vmem>> -> memref<8xi32, #tpu.memory_space<vmem>>
    tpu.wait_dma2 semaphore(%arg21 : memref<!tpu.dma_semaphore, #tpu.memory_space<semaphore_mem>>) src(%arg5 : memref<8xi32, #tpu.memory_space<hbm>>) dst(%dma_wait3A_71 : memref<8xi32, #tpu.memory_space<vmem>>)
    %dma_wait3A_72 = arith.constant 0 : i32
    %dma_wait3A_73 = tpu.memref_slice %arg9[%dma_wait3A_72] : memref<16xi32, #tpu.memory_space<vmem>> -> memref<8xi32, #tpu.memory_space<vmem>>
    %dma_wait3A_74 = arith.constant 0 : i32
    %dma_wait3A_75 = tpu.memref_slice %arg9[%dma_wait3A_74] : memref<16xi32, #tpu.memory_space<vmem>> -> memref<8xi32, #tpu.memory_space<vmem>>
    tpu.wait_dma2 semaphore(%arg21 : memref<!tpu.dma_semaphore, #tpu.memory_space<semaphore_mem>>) src(%arg6 : memref<8xi32, #tpu.memory_space<hbm>>) dst(%dma_wait3A_75 : memref<8xi32, #tpu.memory_space<vmem>>)
    %get3A = arith.constant 0 : index
    %get3A_76 = tpu.vector_load %arg8[%get3A] {strides = array<i32>} : memref<16xi32, #tpu.memory_space<vmem>>, vector<16xi32>,
    %get3A_77 = arith.constant 0 : index
    %get3A_78 = tpu.vector_load %arg9[%get3A_77] {strides = array<i32>} : memref<16xi32, #tpu.memory_space<vmem>>, vector<16xi32>,
    %broadcast_in_dim3A_79 = arith.constant true
    %broadcast_in_dim3A_80 = vector.broadcast %broadcast_in_dim3A_79 : i1 to vector<16xi1>
    %masked_cumsum3A = tpu.scan <sum>, %get3A_76 masked %broadcast_in_dim3A_80 : vector<16xi32>, vector<16xi1> -> vector<16xi32>
    %sub3A_81 = arith.subi %masked_cumsum3A, %get3A_76 : vector<16xi32>
    %swap3A_82 = arith.constant 0 : i32
    %swap3A_83 = arith.index_cast %swap3A_82 : i32 to index
    %swap3A_84 = arith.constant 0 : index
    %swap3A_85 = tpu.vector_load %arg10[%swap3A_83, %swap3A_84] {strides = array<i32>} : memref<2x16xi32, #tpu.memory_space<vmem>>, vector<16xi32>,
    tpu.vector_store %arg10[%swap3A_83, %swap3A_84], %sub3A_81 {strides = array<i32>} : memref<2x16xi32, #tpu.memory_space<vmem>>, vector<16xi32>,
    %broadcast_in_dim3A_86 = arith.constant true
    %broadcast_in_dim3A_87 = vector.broadcast %broadcast_in_dim3A_86 : i1 to vector<16xi1>
    %masked_cumsum3A_88 = tpu.scan <sum>, %get3A_78 masked %broadcast_in_dim3A_87 : vector<16xi32>, vector<16xi1> -> vector<16xi32>
    %sub3A_89 = arith.subi %masked_cumsum3A_88, %get3A_78 : vector<16xi32>
    %swap3A_90 = arith.constant 1 : i32
    %swap3A_91 = arith.index_cast %swap3A_90 : i32 to index
    %swap3A_92 = arith.constant 0 : index
    %swap3A_93 = tpu.vector_load %arg10[%swap3A_91, %swap3A_92] {strides = array<i32>} : memref<2x16xi32, #tpu.memory_space<vmem>>, vector<16xi32>,
    tpu.vector_store %arg10[%swap3A_91, %swap3A_92], %sub3A_89 {strides = array<i32>} : memref<2x16xi32, #tpu.memory_space<vmem>>, vector<16xi32>,
    %gather3A = tpu.vector_load_idx %arg10[%broadcast_in_dim3A_58, %broadcast_in_dim3A] : memref<2x16xi32, #tpu.memory_space<vmem>>[vector<16xi32>, vector<16xi32>], vector<16xi32>,
    %add3A_94 = arith.constant 1 : i32
    %add3A_95 = vector.broadcast %add3A_94 : i32 to vector<16xi32>
    %add3A_96 = arith.addi %broadcast_in_dim3A_58, %add3A_95 : vector<16xi32>
    %gather3A_97 = tpu.vector_load_idx %arg10[%add3A_96, %broadcast_in_dim3A] : memref<2x16xi32, #tpu.memory_space<vmem>>[vector<16xi32>, vector<16xi32>], vector<16xi32>,
    %mul3A_98 = arith.constant 24 : i32
    %mul3A_99 = arith.muli %select_n3A_54, %mul3A_98 : i32
    %add3A_100 = vector.broadcast %mul3A_99 : i32 to vector<16xi32>
    %add3A_101 = arith.addi %gather3A, %add3A_100 : vector<16xi32>
    %add3A_102 = arith.addi %add3A_101, %iota3A : vector<16xi32>
    %swap3A_103 = arith.constant 0 : index
    %swap3A_104 = tpu.vector_load %arg11[%swap3A_103] {strides = array<i32>} : memref<24xi32, #tpu.memory_space<vmem>>, vector<16xi32>,
    tpu.vector_store %arg11[%swap3A_103], %add3A_102 {strides = array<i32>} : memref<24xi32, #tpu.memory_space<vmem>>, vector<16xi32>,
    %add3A_105 = vector.broadcast %mul3A_99 : i32 to vector<16xi32>
    %add3A_106 = arith.addi %gather3A, %add3A_105 : vector<16xi32>
    %add3A_107 = arith.constant 8 : i32
    %add3A_108 = vector.broadcast %add3A_107 : i32 to vector<16xi32>
    %add3A_109 = arith.addi %add3A_106, %add3A_108 : vector<16xi32>
    %add3A_110 = arith.addi %add3A_109, %iota3A : vector<16xi32>
    %swap3A_111 = arith.constant 8 : index
    %swap3A_112 = tpu.vector_load %arg11[%swap3A_111] {strides = array<i32>} : memref<24xi32, #tpu.memory_space<vmem>>, vector<16xi32>,
    tpu.vector_store %arg11[%swap3A_111], %add3A_110 {strides = array<i32>} : memref<24xi32, #tpu.memory_space<vmem>>, vector<16xi32>,
    %add3A_113 = vector.broadcast %mul3A_99 : i32 to vector<16xi32>
    %add3A_114 = arith.addi %gather3A_97, %add3A_113 : vector<16xi32>
    %add3A_115 = arith.addi %add3A_114, %iota3A : vector<16xi32>
    %swap3A_116 = arith.constant 0 : index
    %swap3A_117 = tpu.vector_load %arg12[%swap3A_116] {strides = array<i32>} : memref<24xi32, #tpu.memory_space<vmem>>, vector<16xi32>,
    tpu.vector_store %arg12[%swap3A_116], %add3A_115 {strides = array<i32>} : memref<24xi32, #tpu.memory_space<vmem>>, vector<16xi32>,
    %add3A_118 = vector.broadcast %mul3A_99 : i32 to vector<16xi32>
    %add3A_119 = arith.addi %gather3A_97, %add3A_118 : vector<16xi32>
    %add3A_120 = arith.constant 8 : i32
    %add3A_121 = vector.broadcast %add3A_120 : i32 to vector<16xi32>
    %add3A_122 = arith.addi %add3A_119, %add3A_121 : vector<16xi32>
    %add3A_123 = arith.addi %add3A_122, %iota3A : vector<16xi32>
    %swap3A_124 = arith.constant 8 : index
    %swap3A_125 = tpu.vector_load %arg12[%swap3A_124] {strides = array<i32>} : memref<24xi32, #tpu.memory_space<vmem>>, vector<16xi32>,
    tpu.vector_store %arg12[%swap3A_124], %add3A_123 {strides = array<i32>} : memref<24xi32, #tpu.memory_space<vmem>>, vector<16xi32>,
    %dma_start3A_126 = arith.constant 0 : i32
    %dma_start3A_127 = arith.constant 0 : i32
    %dma_start3A_128 = tpu.memref_slice %arg14[%dma_start3A_126, %dma_start3A_127] : memref<48x768xf32, #tpu.memory_space<vmem>> -> memref<24x768xf32, #tpu.memory_space<vmem>>
    %dma_start3A_129 = arith.constant 0 : i32
    %dma_start3A_130 = arith.constant 0 : i32
    %dma_start3A_131 = tpu.memref_slice %arg3[%dma_start3A_129, %dma_start3A_130] : memref<768x768xf32, #tpu.memory_space<hbm>> -> memref<768x768xf32, #tpu.memory_space<hbm>>
    tpu.enqueue_indirect_dma source(%dma_start3A_131 : memref<768x768xf32, #tpu.memory_space<hbm>>) target(%dma_start3A_128 : memref<24x768xf32, #tpu.memory_space<vmem>>) offsets(%arg11 : memref<24xi32, #tpu.memory_space<vmem>>) semaphore(%arg23 : memref<!tpu.dma_semaphore, #tpu.memory_space<semaphore_mem>>)
    %dma_start3A_132 = arith.constant 24 : i32
    %dma_start3A_133 = arith.constant 0 : i32
    %dma_start3A_134 = tpu.memref_slice %arg14[%dma_start3A_132, %dma_start3A_133] : memref<48x768xf32, #tpu.memory_space<vmem>> -> memref<24x768xf32, #tpu.memory_space<vmem>>
    %dma_start3A_135 = arith.constant 0 : i32
    %dma_start3A_136 = arith.constant 0 : i32
    %dma_start3A_137 = tpu.memref_slice %arg4[%dma_start3A_135, %dma_start3A_136] : memref<768x768xf32, #tpu.memory_space<hbm>> -> memref<768x768xf32, #tpu.memory_space<hbm>>
    tpu.enqueue_indirect_dma source(%dma_start3A_137 : memref<768x768xf32, #tpu.memory_space<hbm>>) target(%dma_start3A_134 : memref<24x768xf32, #tpu.memory_space<vmem>>) offsets(%arg12 : memref<24xi32, #tpu.memory_space<vmem>>) semaphore(%arg24 : memref<!tpu.dma_semaphore, #tpu.memory_space<semaphore_mem>>)
    tpu.wait_dma2 semaphore(%arg22 : memref<!tpu.dma_semaphore, #tpu.memory_space<semaphore_mem>>) src(%arg2 : memref<8x768xf32, #tpu.memory_space<hbm>>) dst(%arg13 : memref<8x768xf32, #tpu.memory_space<vmem>>)
    %broadcast_in_dim3A_138 = arith.constant 0.000000e+00 : f32
    %broadcast_in_dim3A_139 = vector.broadcast %broadcast_in_dim3A_138 : f32 to vector<16xf32>
    %scan3A = arith.constant 0 : i32
    %scan3A_140 = arith.constant 12 : i32
    %scan3A_141 = arith.addi %scan3A, %scan3A_140 : i32
    %scan3A_142 = arith.constant 1 : i32
    %scan3A_143 = scf.for %scan3A_377 = %scan3A to %scan3A_141 step %scan3A_142 iter_args(%scan3A_378 = %broadcast_in_dim3A_139) -> (vector<16xf32>)  : i32 {
      %mul3A_379 = arith.constant 4 : i32
      %mul3A_380 = arith.muli %scan3A_377, %mul3A_379 : i32
      %add3A_381 = arith.constant 0 : i32
      %add3A_382 = arith.addi %mul3A_380, %add3A_381 : i32
      %mul3A_383 = arith.constant 16 : i32
      %mul3A_384 = arith.muli %add3A_382, %mul3A_383 : i32
      %get3A_385 = arith.index_cast %add3A : i32 to index
      %get3A_386 = arith.index_cast %mul3A_384 : i32 to index
      %get3A_387 = tpu.vector_load %arg13[%get3A_385, %get3A_386] {strides = array<i32>} : memref<8x768xf32, #tpu.memory_space<vmem>>, vector<16xf32>,
      %mul3A_388 = arith.mulf %get3A_387, %get3A_387 : vector<16xf32>
      %add3A_389 = arith.addf %scan3A_378, %mul3A_388 : vector<16xf32>
      %mul3A_390 = arith.constant 4 : i32
      %mul3A_391 = arith.muli %scan3A_377, %mul3A_390 : i32
      %add3A_392 = arith.constant 1 : i32
      %add3A_393 = arith.addi %mul3A_391, %add3A_392 : i32
      %mul3A_394 = arith.constant 16 : i32
      %mul3A_395 = arith.muli %add3A_393, %mul3A_394 : i32
      %get3A_396 = arith.index_cast %add3A : i32 to index
      %get3A_397 = arith.index_cast %mul3A_395 : i32 to index
      %get3A_398 = tpu.vector_load %arg13[%get3A_396, %get3A_397] {strides = array<i32>} : memref<8x768xf32, #tpu.memory_space<vmem>>, vector<16xf32>,
      %mul3A_399 = arith.mulf %get3A_398, %get3A_398 : vector<16xf32>
      %add3A_400 = arith.addf %add3A_389, %mul3A_399 : vector<16xf32>
      %mul3A_401 = arith.constant 4 : i32
      %mul3A_402 = arith.muli %scan3A_377, %mul3A_401 : i32
      %add3A_403 = arith.constant 2 : i32
      %add3A_404 = arith.addi %mul3A_402, %add3A_403 : i32
      %mul3A_405 = arith.constant 16 : i32
      %mul3A_406 = arith.muli %add3A_404, %mul3A_405 : i32
      %get3A_407 = arith.index_cast %add3A : i32 to index
      %get3A_408 = arith.index_cast %mul3A_406 : i32 to index
      %get3A_409 = tpu.vector_load %arg13[%get3A_407, %get3A_408] {strides = array<i32>} : memref<8x768xf32, #tpu.memory_space<vmem>>, vector<16xf32>,
      %mul3A_410 = arith.mulf %get3A_409, %get3A_409 : vector<16xf32>
      %add3A_411 = arith.addf %add3A_400, %mul3A_410 : vector<16xf32>
      %mul3A_412 = arith.constant 4 : i32
      %mul3A_413 = arith.muli %scan3A_377, %mul3A_412 : i32
      %add3A_414 = arith.constant 3 : i32
      %add3A_415 = arith.addi %mul3A_413, %add3A_414 : i32
      %mul3A_416 = arith.constant 16 : i32
      %mul3A_417 = arith.muli %add3A_415, %mul3A_416 : i32
      %get3A_418 = arith.index_cast %add3A : i32 to index
      %get3A_419 = arith.index_cast %mul3A_417 : i32 to index
      %get3A_420 = tpu.vector_load %arg13[%get3A_418, %get3A_419] {strides = array<i32>} : memref<8x768xf32, #tpu.memory_space<vmem>>, vector<16xf32>,
      %mul3A_421 = arith.mulf %get3A_420, %get3A_420 : vector<16xf32>
      %add3A_422 = arith.addf %add3A_411, %mul3A_421 : vector<16xf32>
      scf.yield %add3A_422 : vector<16xf32>
    }
    %scan3A_144 = arith.constant 12 : i32
    %broadcast_in_dim3A_145 = arith.constant true
    %broadcast_in_dim3A_146 = vector.broadcast %broadcast_in_dim3A_145 : i1 to vector<16xi1>
    %masked_cumsum3A_147 = tpu.scan <sum>, %scan3A_143 masked %broadcast_in_dim3A_146 : vector<16xf32>, vector<16xi1> -> vector<16xf32>
    %swap3A_148 = arith.constant 0 : i32
    %swap3A_149 = arith.index_cast %swap3A_148 : i32 to index
    %swap3A_150 = arith.constant 0 : index
    %swap3A_151 = tpu.vector_load %arg18[%swap3A_149, %swap3A_150] {strides = array<i32>} : memref<48x16xf32, #tpu.memory_space<vmem>>, vector<16xf32>,
    tpu.vector_store %arg18[%swap3A_149, %swap3A_150], %masked_cumsum3A_147 {strides = array<i32>} : memref<48x16xf32, #tpu.memory_space<vmem>>, vector<16xf32>,
    %gather3A_152 = tpu.vector_load_idx %arg18[%broadcast_in_dim3A_58, %broadcast_in_dim3A_56] : memref<48x16xf32, #tpu.memory_space<vmem>>[vector<16xi32>, vector<16xi32>], vector<16xf32>,
    %max3A = arith.constant 1.000000e-16 : f32
    %max3A_153 = vector.broadcast %max3A : f32 to vector<16xf32>
    %max3A_154 = arith.maximumf %gather3A_152, %max3A_153 : vector<16xf32>
    %bitcast_convert_type3A = tpu.bitcast %max3A_154 : vector<16xf32> -> vector<16xi32>
    %shift_right_arithmetic3A = arith.constant 1 : i32
    %shift_right_arithmetic3A_155 = vector.broadcast %shift_right_arithmetic3A : i32 to vector<16xi32>
    %shift_right_arithmetic3A_156 = arith.shrsi %bitcast_convert_type3A, %shift_right_arithmetic3A_155 : vector<16xi32>
    %sub3A_157 = arith.constant 1597463007 : i32
    %sub3A_158 = vector.broadcast %sub3A_157 : i32 to vector<16xi32>
    %sub3A_159 = arith.subi %sub3A_158, %shift_right_arithmetic3A_156 : vector<16xi32>
    %bitcast_convert_type3A_160 = tpu.bitcast %sub3A_159 : vector<16xi32> -> vector<16xf32>
    %mul3A_161 = arith.constant 5.000000e-01 : f32
    %mul3A_162 = vector.broadcast %mul3A_161 : f32 to vector<16xf32>
    %mul3A_163 = arith.mulf %mul3A_162, %max3A_154 : vector<16xf32>
    %mul3A_164 = arith.mulf %mul3A_163, %bitcast_convert_type3A_160 : vector<16xf32>
    %mul3A_165 = arith.mulf %mul3A_164, %bitcast_convert_type3A_160 : vector<16xf32>
    %sub3A_166 = arith.constant 1.500000e+00 : f32
    %sub3A_167 = vector.broadcast %sub3A_166 : f32 to vector<16xf32>
    %sub3A_168 = arith.subf %sub3A_167, %mul3A_165 : vector<16xf32>
    %mul3A_169 = arith.mulf %bitcast_convert_type3A_160, %sub3A_168 : vector<16xf32>
    %mul3A_170 = arith.constant 5.000000e-01 : f32
    %mul3A_171 = vector.broadcast %mul3A_170 : f32 to vector<16xf32>
    %mul3A_172 = arith.mulf %mul3A_171, %max3A_154 : vector<16xf32>
    %mul3A_173 = arith.mulf %mul3A_172, %mul3A_169 : vector<16xf32>
    %mul3A_174 = arith.mulf %mul3A_173, %mul3A_169 : vector<16xf32>
    %sub3A_175 = arith.constant 1.500000e+00 : f32
    %sub3A_176 = vector.broadcast %sub3A_175 : f32 to vector<16xf32>
    %sub3A_177 = arith.subf %sub3A_176, %mul3A_174 : vector<16xf32>
    %mul3A_178 = arith.mulf %mul3A_169, %sub3A_177 : vector<16xf32>
    %mul3A_179 = arith.constant 5.000000e-01 : f32
    %mul3A_180 = vector.broadcast %mul3A_179 : f32 to vector<16xf32>
    %mul3A_181 = arith.mulf %mul3A_180, %max3A_154 : vector<16xf32>
    %mul3A_182 = arith.mulf %mul3A_181, %mul3A_178 : vector<16xf32>
    %mul3A_183 = arith.mulf %mul3A_182, %mul3A_178 : vector<16xf32>
    %sub3A_184 = arith.constant 1.500000e+00 : f32
    %sub3A_185 = vector.broadcast %sub3A_184 : f32 to vector<16xf32>
    %sub3A_186 = arith.subf %sub3A_185, %mul3A_183 : vector<16xf32>
    %mul3A_187 = arith.mulf %mul3A_178, %sub3A_186 : vector<16xf32>
    %dma_wait3A_188 = arith.constant 0 : i32
    %dma_wait3A_189 = arith.constant 0 : i32
    %dma_wait3A_190 = tpu.memref_slice %arg14[%dma_wait3A_188, %dma_wait3A_189] : memref<48x768xf32, #tpu.memory_space<vmem>> -> memref<24x768xf32, #tpu.memory_space<vmem>>
    %dma_wait3A_191 = arith.constant 0 : i32
    %dma_wait3A_192 = arith.constant 0 : i32
    %dma_wait3A_193 = tpu.memref_slice %arg3[%dma_wait3A_191, %dma_wait3A_192] : memref<768x768xf32, #tpu.memory_space<hbm>> -> memref<768x768xf32, #tpu.memory_space<hbm>>
    tpu.wait_indirect_dma semaphore(%arg23 : memref<!tpu.dma_semaphore, #tpu.memory_space<semaphore_mem>>) src(%dma_wait3A_193 : memref<768x768xf32, #tpu.memory_space<hbm>>) dst(%dma_wait3A_190 : memref<24x768xf32, #tpu.memory_space<vmem>>)
    %dma_wait3A_194 = arith.constant 24 : i32
    %dma_wait3A_195 = arith.constant 0 : i32
    %dma_wait3A_196 = tpu.memref_slice %arg14[%dma_wait3A_194, %dma_wait3A_195] : memref<48x768xf32, #tpu.memory_space<vmem>> -> memref<24x768xf32, #tpu.memory_space<vmem>>
    %dma_wait3A_197 = arith.constant 0 : i32
    %dma_wait3A_198 = arith.constant 0 : i32
    %dma_wait3A_199 = tpu.memref_slice %arg4[%dma_wait3A_197, %dma_wait3A_198] : memref<768x768xf32, #tpu.memory_space<hbm>> -> memref<768x768xf32, #tpu.memory_space<hbm>>
    tpu.wait_indirect_dma semaphore(%arg24 : memref<!tpu.dma_semaphore, #tpu.memory_space<semaphore_mem>>) src(%dma_wait3A_199 : memref<768x768xf32, #tpu.memory_space<hbm>>) dst(%dma_wait3A_196 : memref<24x768xf32, #tpu.memory_space<vmem>>)
    %scan3A_200 = arith.constant 0 : i32
    %scan3A_201 = arith.constant 0 : i32
    %scan3A_202 = arith.constant 12 : i32
    %scan3A_203 = arith.addi %scan3A_201, %scan3A_202 : i32
    %scan3A_204 = arith.constant 1 : i32
    scf.for %scan3A_377 = %scan3A_201 to %scan3A_203 step %scan3A_204  : i32 {
      %mul3A_378 = arith.constant 4 : i32
      %mul3A_379 = arith.muli %scan3A_377, %mul3A_378 : i32
      %broadcast_in_dim3A_380 = arith.constant 0.000000e+00 : f32
      %broadcast_in_dim3A_381 = vector.broadcast %broadcast_in_dim3A_380 : f32 to vector<16xf32>
      %scan3A_382 = arith.constant 0 : i32
      %scan3A_383 = arith.constant 12 : i32
      %scan3A_384 = arith.addi %scan3A_382, %scan3A_383 : i32
      %scan3A_385 = arith.constant 1 : i32
      %scan3A_386:8 = scf.for %scan3A_452 = %scan3A_382 to %scan3A_384 step %scan3A_385 iter_args(%scan3A_453 = %broadcast_in_dim3A_381, %scan3A_454 = %broadcast_in_dim3A_381, %scan3A_455 = %broadcast_in_dim3A_381, %scan3A_456 = %broadcast_in_dim3A_381, %scan3A_457 = %broadcast_in_dim3A_381, %scan3A_458 = %broadcast_in_dim3A_381, %scan3A_459 = %broadcast_in_dim3A_381, %scan3A_460 = %broadcast_in_dim3A_381) -> (vector<16xf32>, vector<16xf32>, vector<16xf32>, vector<16xf32>, vector<16xf32>, vector<16xf32>, vector<16xf32>, vector<16xf32>)  : i32 {
        %mul3A_461 = arith.constant 4 : i32
        %mul3A_462 = arith.muli %scan3A_452, %mul3A_461 : i32
        %add3A_463 = arith.constant 0 : i32
        %add3A_464 = arith.addi %mul3A_462, %add3A_463 : i32
        %mul3A_465 = arith.constant 16 : i32
        %mul3A_466 = arith.muli %add3A_464, %mul3A_465 : i32
        %get3A_467 = arith.index_cast %add3A : i32 to index
        %get3A_468 = arith.index_cast %mul3A_466 : i32 to index
        %get3A_469 = tpu.vector_load %arg13[%get3A_467, %get3A_468] {strides = array<i32>} : memref<8x768xf32, #tpu.memory_space<vmem>>, vector<16xf32>,
        %add3A_470 = arith.constant 0 : i32
        %add3A_471 = arith.addi %mul3A_379, %add3A_470 : i32
        %mul3A_472 = arith.constant 4 : i32
        %mul3A_473 = arith.muli %scan3A_452, %mul3A_472 : i32
        %add3A_474 = arith.constant 0 : i32
        %add3A_475 = arith.addi %mul3A_473, %add3A_474 : i32
        %mul3A_476 = arith.constant 16 : i32
        %mul3A_477 = arith.muli %add3A_475, %mul3A_476 : i32
        %get3A_478 = arith.index_cast %add3A_471 : i32 to index
        %get3A_479 = arith.index_cast %mul3A_477 : i32 to index
        %get3A_480 = tpu.vector_load %arg14[%get3A_478, %get3A_479] {strides = array<i32>} : memref<48x768xf32, #tpu.memory_space<vmem>>, vector<16xf32>,
        %mul3A_481 = arith.mulf %get3A_469, %get3A_480 : vector<16xf32>
        %add3A_482 = arith.addf %scan3A_453, %mul3A_481 : vector<16xf32>
        %mul3A_483 = arith.mulf %get3A_480, %get3A_480 : vector<16xf32>
        %add3A_484 = arith.addf %scan3A_457, %mul3A_483 : vector<16xf32>
        %add3A_485 = arith.constant 1 : i32
        %add3A_486 = arith.addi %mul3A_379, %add3A_485 : i32
        %mul3A_487 = arith.constant 4 : i32
        %mul3A_488 = arith.muli %scan3A_452, %mul3A_487 : i32
        %add3A_489 = arith.constant 0 : i32
        %add3A_490 = arith.addi %mul3A_488, %add3A_489 : i32
        %mul3A_491 = arith.constant 16 : i32
        %mul3A_492 = arith.muli %add3A_490, %mul3A_491 : i32
        %get3A_493 = arith.index_cast %add3A_486 : i32 to index
        %get3A_494 = arith.index_cast %mul3A_492 : i32 to index
        %get3A_495 = tpu.vector_load %arg14[%get3A_493, %get3A_494] {strides = array<i32>} : memref<48x768xf32, #tpu.memory_space<vmem>>, vector<16xf32>,
        %mul3A_496 = arith.mulf %get3A_469, %get3A_495 : vector<16xf32>
        %add3A_497 = arith.addf %scan3A_454, %mul3A_496 : vector<16xf32>
        %mul3A_498 = arith.mulf %get3A_495, %get3A_495 : vector<16xf32>
        %add3A_499 = arith.addf %scan3A_458, %mul3A_498 : vector<16xf32>
        %add3A_500 = arith.constant 2 : i32
        %add3A_501 = arith.addi %mul3A_379, %add3A_500 : i32
        %mul3A_502 = arith.constant 4 : i32
        %mul3A_503 = arith.muli %scan3A_452, %mul3A_502 : i32
        %add3A_504 = arith.constant 0 : i32
        %add3A_505 = arith.addi %mul3A_503, %add3A_504 : i32
        %mul3A_506 = arith.constant 16 : i32
        %mul3A_507 = arith.muli %add3A_505, %mul3A_506 : i32
        %get3A_508 = arith.index_cast %add3A_501 : i32 to index
        %get3A_509 = arith.index_cast %mul3A_507 : i32 to index
        %get3A_510 = tpu.vector_load %arg14[%get3A_508, %get3A_509] {strides = array<i32>} : memref<48x768xf32, #tpu.memory_space<vmem>>, vector<16xf32>,
        %mul3A_511 = arith.mulf %get3A_469, %get3A_510 : vector<16xf32>
        %add3A_512 = arith.addf %scan3A_455, %mul3A_511 : vector<16xf32>
        %mul3A_513 = arith.mulf %get3A_510, %get3A_510 : vector<16xf32>
        %add3A_514 = arith.addf %scan3A_459, %mul3A_513 : vector<16xf32>
        %add3A_515 = arith.constant 3 : i32
        %add3A_516 = arith.addi %mul3A_379, %add3A_515 : i32
        %mul3A_517 = arith.constant 4 : i32
        %mul3A_518 = arith.muli %scan3A_452, %mul3A_517 : i32
        %add3A_519 = arith.constant 0 : i32
        %add3A_520 = arith.addi %mul3A_518, %add3A_519 : i32
        %mul3A_521 = arith.constant 16 : i32
        %mul3A_522 = arith.muli %add3A_520, %mul3A_521 : i32
        %get3A_523 = arith.index_cast %add3A_516 : i32 to index
        %get3A_524 = arith.index_cast %mul3A_522 : i32 to index
        %get3A_525 = tpu.vector_load %arg14[%get3A_523, %get3A_524] {strides = array<i32>} : memref<48x768xf32, #tpu.memory_space<vmem>>, vector<16xf32>,
        %mul3A_526 = arith.mulf %get3A_469, %get3A_525 : vector<16xf32>
        %add3A_527 = arith.addf %scan3A_456, %mul3A_526 : vector<16xf32>
        %mul3A_528 = arith.mulf %get3A_525, %get3A_525 : vector<16xf32>
        %add3A_529 = arith.addf %scan3A_460, %mul3A_528 : vector<16xf32>
        %mul3A_530 = arith.constant 4 : i32
        %mul3A_531 = arith.muli %scan3A_452, %mul3A_530 : i32
        %add3A_532 = arith.constant 1 : i32
        %add3A_533 = arith.addi %mul3A_531, %add3A_532 : i32
        %mul3A_534 = arith.constant 16 : i32
        %mul3A_535 = arith.muli %add3A_533, %mul3A_534 : i32
        %get3A_536 = arith.index_cast %add3A : i32 to index
        %get3A_537 = arith.index_cast %mul3A_535 : i32 to index
        %get3A_538 = tpu.vector_load %arg13[%get3A_536, %get3A_537] {strides = array<i32>} : memref<8x768xf32, #tpu.memory_space<vmem>>, vector<16xf32>,
        %add3A_539 = arith.constant 0 : i32
        %add3A_540 = arith.addi %mul3A_379, %add3A_539 : i32
        %mul3A_541 = arith.constant 4 : i32
        %mul3A_542 = arith.muli %scan3A_452, %mul3A_541 : i32
        %add3A_543 = arith.constant 1 : i32
        %add3A_544 = arith.addi %mul3A_542, %add3A_543 : i32
        %mul3A_545 = arith.constant 16 : i32
        %mul3A_546 = arith.muli %add3A_544, %mul3A_545 : i32
        %get3A_547 = arith.index_cast %add3A_540 : i32 to index
        %get3A_548 = arith.index_cast %mul3A_546 : i32 to index
        %get3A_549 = tpu.vector_load %arg14[%get3A_547, %get3A_548] {strides = array<i32>} : memref<48x768xf32, #tpu.memory_space<vmem>>, vector<16xf32>,
        %mul3A_550 = arith.mulf %get3A_538, %get3A_549 : vector<16xf32>
        %add3A_551 = arith.addf %add3A_482, %mul3A_550 : vector<16xf32>
        %mul3A_552 = arith.mulf %get3A_549, %get3A_549 : vector<16xf32>
        %add3A_553 = arith.addf %add3A_484, %mul3A_552 : vector<16xf32>
        %add3A_554 = arith.constant 1 : i32
        %add3A_555 = arith.addi %mul3A_379, %add3A_554 : i32
        %mul3A_556 = arith.constant 4 : i32
        %mul3A_557 = arith.muli %scan3A_452, %mul3A_556 : i32
        %add3A_558 = arith.constant 1 : i32
        %add3A_559 = arith.addi %mul3A_557, %add3A_558 : i32
        %mul3A_560 = arith.constant 16 : i32
        %mul3A_561 = arith.muli %add3A_559, %mul3A_560 : i32
        %get3A_562 = arith.index_cast %add3A_555 : i32 to index
        %get3A_563 = arith.index_cast %mul3A_561 : i32 to index
        %get3A_564 = tpu.vector_load %arg14[%get3A_562, %get3A_563] {strides = array<i32>} : memref<48x768xf32, #tpu.memory_space<vmem>>, vector<16xf32>,
        %mul3A_565 = arith.mulf %get3A_538, %get3A_564 : vector<16xf32>
        %add3A_566 = arith.addf %add3A_497, %mul3A_565 : vector<16xf32>
        %mul3A_567 = arith.mulf %get3A_564, %get3A_564 : vector<16xf32>
        %add3A_568 = arith.addf %add3A_499, %mul3A_567 : vector<16xf32>
        %add3A_569 = arith.constant 2 : i32
        %add3A_570 = arith.addi %mul3A_379, %add3A_569 : i32
        %mul3A_571 = arith.constant 4 : i32
        %mul3A_572 = arith.muli %scan3A_452, %mul3A_571 : i32
        %add3A_573 = arith.constant 1 : i32
        %add3A_574 = arith.addi %mul3A_572, %add3A_573 : i32
        %mul3A_575 = arith.constant 16 : i32
        %mul3A_576 = arith.muli %add3A_574, %mul3A_575 : i32
        %get3A_577 = arith.index_cast %add3A_570 : i32 to index
        %get3A_578 = arith.index_cast %mul3A_576 : i32 to index
        %get3A_579 = tpu.vector_load %arg14[%get3A_577, %get3A_578] {strides = array<i32>} : memref<48x768xf32, #tpu.memory_space<vmem>>, vector<16xf32>,
        %mul3A_580 = arith.mulf %get3A_538, %get3A_579 : vector<16xf32>
        %add3A_581 = arith.addf %add3A_512, %mul3A_580 : vector<16xf32>
        %mul3A_582 = arith.mulf %get3A_579, %get3A_579 : vector<16xf32>
        %add3A_583 = arith.addf %add3A_514, %mul3A_582 : vector<16xf32>
        %add3A_584 = arith.constant 3 : i32
        %add3A_585 = arith.addi %mul3A_379, %add3A_584 : i32
        %mul3A_586 = arith.constant 4 : i32
        %mul3A_587 = arith.muli %scan3A_452, %mul3A_586 : i32
        %add3A_588 = arith.constant 1 : i32
        %add3A_589 = arith.addi %mul3A_587, %add3A_588 : i32
        %mul3A_590 = arith.constant 16 : i32
        %mul3A_591 = arith.muli %add3A_589, %mul3A_590 : i32
        %get3A_592 = arith.index_cast %add3A_585 : i32 to index
        %get3A_593 = arith.index_cast %mul3A_591 : i32 to index
        %get3A_594 = tpu.vector_load %arg14[%get3A_592, %get3A_593] {strides = array<i32>} : memref<48x768xf32, #tpu.memory_space<vmem>>, vector<16xf32>,
        %mul3A_595 = arith.mulf %get3A_538, %get3A_594 : vector<16xf32>
        %add3A_596 = arith.addf %add3A_527, %mul3A_595 : vector<16xf32>
        %mul3A_597 = arith.mulf %get3A_594, %get3A_594 : vector<16xf32>
        %add3A_598 = arith.addf %add3A_529, %mul3A_597 : vector<16xf32>
        %mul3A_599 = arith.constant 4 : i32
        %mul3A_600 = arith.muli %scan3A_452, %mul3A_599 : i32
        %add3A_601 = arith.constant 2 : i32
        %add3A_602 = arith.addi %mul3A_600, %add3A_601 : i32
        %mul3A_603 = arith.constant 16 : i32
        %mul3A_604 = arith.muli %add3A_602, %mul3A_603 : i32
        %get3A_605 = arith.index_cast %add3A : i32 to index
        %get3A_606 = arith.index_cast %mul3A_604 : i32 to index
        %get3A_607 = tpu.vector_load %arg13[%get3A_605, %get3A_606] {strides = array<i32>} : memref<8x768xf32, #tpu.memory_space<vmem>>, vector<16xf32>,
        %add3A_608 = arith.constant 0 : i32
        %add3A_609 = arith.addi %mul3A_379, %add3A_608 : i32
        %mul3A_610 = arith.constant 4 : i32
        %mul3A_611 = arith.muli %scan3A_452, %mul3A_610 : i32
        %add3A_612 = arith.constant 2 : i32
        %add3A_613 = arith.addi %mul3A_611, %add3A_612 : i32
        %mul3A_614 = arith.constant 16 : i32
        %mul3A_615 = arith.muli %add3A_613, %mul3A_614 : i32
        %get3A_616 = arith.index_cast %add3A_609 : i32 to index
        %get3A_617 = arith.index_cast %mul3A_615 : i32 to index
        %get3A_618 = tpu.vector_load %arg14[%get3A_616, %get3A_617] {strides = array<i32>} : memref<48x768xf32, #tpu.memory_space<vmem>>, vector<16xf32>,
        %mul3A_619 = arith.mulf %get3A_607, %get3A_618 : vector<16xf32>
        %add3A_620 = arith.addf %add3A_551, %mul3A_619 : vector<16xf32>
        %mul3A_621 = arith.mulf %get3A_618, %get3A_618 : vector<16xf32>
        %add3A_622 = arith.addf %add3A_553, %mul3A_621 : vector<16xf32>
        %add3A_623 = arith.constant 1 : i32
        %add3A_624 = arith.addi %mul3A_379, %add3A_623 : i32
        %mul3A_625 = arith.constant 4 : i32
        %mul3A_626 = arith.muli %scan3A_452, %mul3A_625 : i32
        %add3A_627 = arith.constant 2 : i32
        %add3A_628 = arith.addi %mul3A_626, %add3A_627 : i32
        %mul3A_629 = arith.constant 16 : i32
        %mul3A_630 = arith.muli %add3A_628, %mul3A_629 : i32
        %get3A_631 = arith.index_cast %add3A_624 : i32 to index
        %get3A_632 = arith.index_cast %mul3A_630 : i32 to index
        %get3A_633 = tpu.vector_load %arg14[%get3A_631, %get3A_632] {strides = array<i32>} : memref<48x768xf32, #tpu.memory_space<vmem>>, vector<16xf32>,
        %mul3A_634 = arith.mulf %get3A_607, %get3A_633 : vector<16xf32>
        %add3A_635 = arith.addf %add3A_566, %mul3A_634 : vector<16xf32>
        %mul3A_636 = arith.mulf %get3A_633, %get3A_633 : vector<16xf32>
        %add3A_637 = arith.addf %add3A_568, %mul3A_636 : vector<16xf32>
        %add3A_638 = arith.constant 2 : i32
        %add3A_639 = arith.addi %mul3A_379, %add3A_638 : i32
        %mul3A_640 = arith.constant 4 : i32
        %mul3A_641 = arith.muli %scan3A_452, %mul3A_640 : i32
        %add3A_642 = arith.constant 2 : i32
        %add3A_643 = arith.addi %mul3A_641, %add3A_642 : i32
        %mul3A_644 = arith.constant 16 : i32
        %mul3A_645 = arith.muli %add3A_643, %mul3A_644 : i32
        %get3A_646 = arith.index_cast %add3A_639 : i32 to index
        %get3A_647 = arith.index_cast %mul3A_645 : i32 to index
        %get3A_648 = tpu.vector_load %arg14[%get3A_646, %get3A_647] {strides = array<i32>} : memref<48x768xf32, #tpu.memory_space<vmem>>, vector<16xf32>,
        %mul3A_649 = arith.mulf %get3A_607, %get3A_648 : vector<16xf32>
        %add3A_650 = arith.addf %add3A_581, %mul3A_649 : vector<16xf32>
        %mul3A_651 = arith.mulf %get3A_648, %get3A_648 : vector<16xf32>
        %add3A_652 = arith.addf %add3A_583, %mul3A_651 : vector<16xf32>
        %add3A_653 = arith.constant 3 : i32
        %add3A_654 = arith.addi %mul3A_379, %add3A_653 : i32
        %mul3A_655 = arith.constant 4 : i32
        %mul3A_656 = arith.muli %scan3A_452, %mul3A_655 : i32
        %add3A_657 = arith.constant 2 : i32
        %add3A_658 = arith.addi %mul3A_656, %add3A_657 : i32
        %mul3A_659 = arith.constant 16 : i32
        %mul3A_660 = arith.muli %add3A_658, %mul3A_659 : i32
        %get3A_661 = arith.index_cast %add3A_654 : i32 to index
        %get3A_662 = arith.index_cast %mul3A_660 : i32 to index
        %get3A_663 = tpu.vector_load %arg14[%get3A_661, %get3A_662] {strides = array<i32>} : memref<48x768xf32, #tpu.memory_space<vmem>>, vector<16xf32>,
        %mul3A_664 = arith.mulf %get3A_607, %get3A_663 : vector<16xf32>
        %add3A_665 = arith.addf %add3A_596, %mul3A_664 : vector<16xf32>
        %mul3A_666 = arith.mulf %get3A_663, %get3A_663 : vector<16xf32>
        %add3A_667 = arith.addf %add3A_598, %mul3A_666 : vector<16xf32>
        %mul3A_668 = arith.constant 4 : i32
        %mul3A_669 = arith.muli %scan3A_452, %mul3A_668 : i32
        %add3A_670 = arith.constant 3 : i32
        %add3A_671 = arith.addi %mul3A_669, %add3A_670 : i32
        %mul3A_672 = arith.constant 16 : i32
        %mul3A_673 = arith.muli %add3A_671, %mul3A_672 : i32
        %get3A_674 = arith.index_cast %add3A : i32 to index
        %get3A_675 = arith.index_cast %mul3A_673 : i32 to index
        %get3A_676 = tpu.vector_load %arg13[%get3A_674, %get3A_675] {strides = array<i32>} : memref<8x768xf32, #tpu.memory_space<vmem>>, vector<16xf32>,
        %add3A_677 = arith.constant 0 : i32
        %add3A_678 = arith.addi %mul3A_379, %add3A_677 : i32
        %mul3A_679 = arith.constant 4 : i32
        %mul3A_680 = arith.muli %scan3A_452, %mul3A_679 : i32
        %add3A_681 = arith.constant 3 : i32
        %add3A_682 = arith.addi %mul3A_680, %add3A_681 : i32
        %mul3A_683 = arith.constant 16 : i32
        %mul3A_684 = arith.muli %add3A_682, %mul3A_683 : i32
        %get3A_685 = arith.index_cast %add3A_678 : i32 to index
        %get3A_686 = arith.index_cast %mul3A_684 : i32 to index
        %get3A_687 = tpu.vector_load %arg14[%get3A_685, %get3A_686] {strides = array<i32>} : memref<48x768xf32, #tpu.memory_space<vmem>>, vector<16xf32>,
        %mul3A_688 = arith.mulf %get3A_676, %get3A_687 : vector<16xf32>
        %add3A_689 = arith.addf %add3A_620, %mul3A_688 : vector<16xf32>
        %mul3A_690 = arith.mulf %get3A_687, %get3A_687 : vector<16xf32>
        %add3A_691 = arith.addf %add3A_622, %mul3A_690 : vector<16xf32>
        %add3A_692 = arith.constant 1 : i32
        %add3A_693 = arith.addi %mul3A_379, %add3A_692 : i32
        %mul3A_694 = arith.constant 4 : i32
        %mul3A_695 = arith.muli %scan3A_452, %mul3A_694 : i32
        %add3A_696 = arith.constant 3 : i32
        %add3A_697 = arith.addi %mul3A_695, %add3A_696 : i32
        %mul3A_698 = arith.constant 16 : i32
        %mul3A_699 = arith.muli %add3A_697, %mul3A_698 : i32
        %get3A_700 = arith.index_cast %add3A_693 : i32 to index
        %get3A_701 = arith.index_cast %mul3A_699 : i32 to index
        %get3A_702 = tpu.vector_load %arg14[%get3A_700, %get3A_701] {strides = array<i32>} : memref<48x768xf32, #tpu.memory_space<vmem>>, vector<16xf32>,
        %mul3A_703 = arith.mulf %get3A_676, %get3A_702 : vector<16xf32>
        %add3A_704 = arith.addf %add3A_635, %mul3A_703 : vector<16xf32>
        %mul3A_705 = arith.mulf %get3A_702, %get3A_702 : vector<16xf32>
        %add3A_706 = arith.addf %add3A_637, %mul3A_705 : vector<16xf32>
        %add3A_707 = arith.constant 2 : i32
        %add3A_708 = arith.addi %mul3A_379, %add3A_707 : i32
        %mul3A_709 = arith.constant 4 : i32
        %mul3A_710 = arith.muli %scan3A_452, %mul3A_709 : i32
        %add3A_711 = arith.constant 3 : i32
        %add3A_712 = arith.addi %mul3A_710, %add3A_711 : i32
        %mul3A_713 = arith.constant 16 : i32
        %mul3A_714 = arith.muli %add3A_712, %mul3A_713 : i32
        %get3A_715 = arith.index_cast %add3A_708 : i32 to index
        %get3A_716 = arith.index_cast %mul3A_714 : i32 to index
        %get3A_717 = tpu.vector_load %arg14[%get3A_715, %get3A_716] {strides = array<i32>} : memref<48x768xf32, #tpu.memory_space<vmem>>, vector<16xf32>,
        %mul3A_718 = arith.mulf %get3A_676, %get3A_717 : vector<16xf32>
        %add3A_719 = arith.addf %add3A_650, %mul3A_718 : vector<16xf32>
        %mul3A_720 = arith.mulf %get3A_717, %get3A_717 : vector<16xf32>
        %add3A_721 = arith.addf %add3A_652, %mul3A_720 : vector<16xf32>
        %add3A_722 = arith.constant 3 : i32
        %add3A_723 = arith.addi %mul3A_379, %add3A_722 : i32
        %mul3A_724 = arith.constant 4 : i32
        %mul3A_725 = arith.muli %scan3A_452, %mul3A_724 : i32
        %add3A_726 = arith.constant 3 : i32
        %add3A_727 = arith.addi %mul3A_725, %add3A_726 : i32
        %mul3A_728 = arith.constant 16 : i32
        %mul3A_729 = arith.muli %add3A_727, %mul3A_728 : i32
        %get3A_730 = arith.index_cast %add3A_723 : i32 to index
        %get3A_731 = arith.index_cast %mul3A_729 : i32 to index
        %get3A_732 = tpu.vector_load %arg14[%get3A_730, %get3A_731] {strides = array<i32>} : memref<48x768xf32, #tpu.memory_space<vmem>>, vector<16xf32>,
        %mul3A_733 = arith.mulf %get3A_676, %get3A_732 : vector<16xf32>
        %add3A_734 = arith.addf %add3A_665, %mul3A_733 : vector<16xf32>
        %mul3A_735 = arith.mulf %get3A_732, %get3A_732 : vector<16xf32>
        %add3A_736 = arith.addf %add3A_667, %mul3A_735 : vector<16xf32>
        scf.yield %add3A_689, %add3A_704, %add3A_719, %add3A_734, %add3A_691, %add3A_706, %add3A_721, %add3A_736 : vector<16xf32>, vector<16xf32>, vector<16xf32>, vector<16xf32>, vector<16xf32>, vector<16xf32>, vector<16xf32>, vector<16xf32>
      }
      %scan3A_387 = arith.constant 12 : i32
      %broadcast_in_dim3A_388 = arith.constant true
      %broadcast_in_dim3A_389 = vector.broadcast %broadcast_in_dim3A_388 : i1 to vector<16xi1>
      %masked_cumsum3A_390 = tpu.scan <sum>, %scan3A_386#0 masked %broadcast_in_dim3A_389 : vector<16xf32>, vector<16xi1> -> vector<16xf32>
      %add3A_391 = arith.constant 0 : i32
      %add3A_392 = arith.addi %mul3A_379, %add3A_391 : i32
      %swap3A_393 = arith.index_cast %add3A_392 : i32 to index
      %swap3A_394 = arith.constant 0 : index
      %swap3A_395 = tpu.vector_load %arg18[%swap3A_393, %swap3A_394] {strides = array<i32>} : memref<48x16xf32, #tpu.memory_space<vmem>>, vector<16xf32>,
      tpu.vector_store %arg18[%swap3A_393, %swap3A_394], %masked_cumsum3A_390 {strides = array<i32>} : memref<48x16xf32, #tpu.memory_space<vmem>>, vector<16xf32>,
      %broadcast_in_dim3A_396 = arith.constant true
      %broadcast_in_dim3A_397 = vector.broadcast %broadcast_in_dim3A_396 : i1 to vector<16xi1>
      %masked_cumsum3A_398 = tpu.scan <sum>, %scan3A_386#4 masked %broadcast_in_dim3A_397 : vector<16xf32>, vector<16xi1> -> vector<16xf32>
      %add3A_399 = arith.constant 0 : i32
      %add3A_400 = arith.addi %mul3A_379, %add3A_399 : i32
      %swap3A_401 = arith.index_cast %add3A_400 : i32 to index
      %swap3A_402 = arith.constant 0 : index
      %swap3A_403 = tpu.vector_load %arg19[%swap3A_401, %swap3A_402] {strides = array<i32>} : memref<48x16xf32, #tpu.memory_space<vmem>>, vector<16xf32>,
      tpu.vector_store %arg19[%swap3A_401, %swap3A_402], %masked_cumsum3A_398 {strides = array<i32>} : memref<48x16xf32, #tpu.memory_space<vmem>>, vector<16xf32>,
      %broadcast_in_dim3A_404 = arith.constant true
      %broadcast_in_dim3A_405 = vector.broadcast %broadcast_in_dim3A_404 : i1 to vector<16xi1>
      %masked_cumsum3A_406 = tpu.scan <sum>, %scan3A_386#1 masked %broadcast_in_dim3A_405 : vector<16xf32>, vector<16xi1> -> vector<16xf32>
      %add3A_407 = arith.constant 1 : i32
      %add3A_408 = arith.addi %mul3A_379, %add3A_407 : i32
      %swap3A_409 = arith.index_cast %add3A_408 : i32 to index
      %swap3A_410 = arith.constant 0 : index
      %swap3A_411 = tpu.vector_load %arg18[%swap3A_409, %swap3A_410] {strides = array<i32>} : memref<48x16xf32, #tpu.memory_space<vmem>>, vector<16xf32>,
      tpu.vector_store %arg18[%swap3A_409, %swap3A_410], %masked_cumsum3A_406 {strides = array<i32>} : memref<48x16xf32, #tpu.memory_space<vmem>>, vector<16xf32>,
      %broadcast_in_dim3A_412 = arith.constant true
      %broadcast_in_dim3A_413 = vector.broadcast %broadcast_in_dim3A_412 : i1 to vector<16xi1>
      %masked_cumsum3A_414 = tpu.scan <sum>, %scan3A_386#5 masked %broadcast_in_dim3A_413 : vector<16xf32>, vector<16xi1> -> vector<16xf32>
      %add3A_415 = arith.constant 1 : i32
      %add3A_416 = arith.addi %mul3A_379, %add3A_415 : i32
      %swap3A_417 = arith.index_cast %add3A_416 : i32 to index
      %swap3A_418 = arith.constant 0 : index
      %swap3A_419 = tpu.vector_load %arg19[%swap3A_417, %swap3A_418] {strides = array<i32>} : memref<48x16xf32, #tpu.memory_space<vmem>>, vector<16xf32>,
      tpu.vector_store %arg19[%swap3A_417, %swap3A_418], %masked_cumsum3A_414 {strides = array<i32>} : memref<48x16xf32, #tpu.memory_space<vmem>>, vector<16xf32>,
      %broadcast_in_dim3A_420 = arith.constant true
      %broadcast_in_dim3A_421 = vector.broadcast %broadcast_in_dim3A_420 : i1 to vector<16xi1>
      %masked_cumsum3A_422 = tpu.scan <sum>, %scan3A_386#2 masked %broadcast_in_dim3A_421 : vector<16xf32>, vector<16xi1> -> vector<16xf32>
      %add3A_423 = arith.constant 2 : i32
      %add3A_424 = arith.addi %mul3A_379, %add3A_423 : i32
      %swap3A_425 = arith.index_cast %add3A_424 : i32 to index
      %swap3A_426 = arith.constant 0 : index
      %swap3A_427 = tpu.vector_load %arg18[%swap3A_425, %swap3A_426] {strides = array<i32>} : memref<48x16xf32, #tpu.memory_space<vmem>>, vector<16xf32>,
      tpu.vector_store %arg18[%swap3A_425, %swap3A_426], %masked_cumsum3A_422 {strides = array<i32>} : memref<48x16xf32, #tpu.memory_space<vmem>>, vector<16xf32>,
      %broadcast_in_dim3A_428 = arith.constant true
      %broadcast_in_dim3A_429 = vector.broadcast %broadcast_in_dim3A_428 : i1 to vector<16xi1>
      %masked_cumsum3A_430 = tpu.scan <sum>, %scan3A_386#6 masked %broadcast_in_dim3A_429 : vector<16xf32>, vector<16xi1> -> vector<16xf32>
      %add3A_431 = arith.constant 2 : i32
      %add3A_432 = arith.addi %mul3A_379, %add3A_431 : i32
      %swap3A_433 = arith.index_cast %add3A_432 : i32 to index
      %swap3A_434 = arith.constant 0 : index
      %swap3A_435 = tpu.vector_load %arg19[%swap3A_433, %swap3A_434] {strides = array<i32>} : memref<48x16xf32, #tpu.memory_space<vmem>>, vector<16xf32>,
      tpu.vector_store %arg19[%swap3A_433, %swap3A_434], %masked_cumsum3A_430 {strides = array<i32>} : memref<48x16xf32, #tpu.memory_space<vmem>>, vector<16xf32>,
      %broadcast_in_dim3A_436 = arith.constant true
      %broadcast_in_dim3A_437 = vector.broadcast %broadcast_in_dim3A_436 : i1 to vector<16xi1>
      %masked_cumsum3A_438 = tpu.scan <sum>, %scan3A_386#3 masked %broadcast_in_dim3A_437 : vector<16xf32>, vector<16xi1> -> vector<16xf32>
      %add3A_439 = arith.constant 3 : i32
      %add3A_440 = arith.addi %mul3A_379, %add3A_439 : i32
      %swap3A_441 = arith.index_cast %add3A_440 : i32 to index
      %swap3A_442 = arith.constant 0 : index
      %swap3A_443 = tpu.vector_load %arg18[%swap3A_441, %swap3A_442] {strides = array<i32>} : memref<48x16xf32, #tpu.memory_space<vmem>>, vector<16xf32>,
      tpu.vector_store %arg18[%swap3A_441, %swap3A_442], %masked_cumsum3A_438 {strides = array<i32>} : memref<48x16xf32, #tpu.memory_space<vmem>>, vector<16xf32>,
      %broadcast_in_dim3A_444 = arith.constant true
      %broadcast_in_dim3A_445 = vector.broadcast %broadcast_in_dim3A_444 : i1 to vector<16xi1>
      %masked_cumsum3A_446 = tpu.scan <sum>, %scan3A_386#7 masked %broadcast_in_dim3A_445 : vector<16xf32>, vector<16xi1> -> vector<16xf32>
      %add3A_447 = arith.constant 3 : i32
      %add3A_448 = arith.addi %mul3A_379, %add3A_447 : i32
      %swap3A_449 = arith.index_cast %add3A_448 : i32 to index
      %swap3A_450 = arith.constant 0 : index
      %swap3A_451 = tpu.vector_load %arg19[%swap3A_449, %swap3A_450] {strides = array<i32>} : memref<48x16xf32, #tpu.memory_space<vmem>>, vector<16xf32>,
      tpu.vector_store %arg19[%swap3A_449, %swap3A_450], %masked_cumsum3A_446 {strides = array<i32>} : memref<48x16xf32, #tpu.memory_space<vmem>>, vector<16xf32>,
    }
    %scan3A_205 = arith.constant 12 : i32
    %scan3A_206 = arith.constant 0 : i32
    %scan3A_207 = arith.constant 0 : i32
    %scan3A_208 = arith.constant 3 : i32
    %scan3A_209 = arith.addi %scan3A_207, %scan3A_208 : i32
    %scan3A_210 = arith.constant 1 : i32
    scf.for %scan3A_377 = %scan3A_207 to %scan3A_209 step %scan3A_210  : i32 {
      %mul3A_378 = arith.constant 16 : i32
      %mul3A_379 = arith.muli %scan3A_377, %mul3A_378 : i32
      %add3A_380 = vector.broadcast %mul3A_379 : i32 to vector<16xi32>
      %add3A_381 = arith.addi %iota3A, %add3A_380 : vector<16xi32>
      %gather3A_382 = tpu.vector_load_idx %arg18[%add3A_381, %broadcast_in_dim3A_56] : memref<48x16xf32, #tpu.memory_space<vmem>>[vector<16xi32>, vector<16xi32>], vector<16xf32>,
      %gather3A_383 = tpu.vector_load_idx %arg19[%add3A_381, %broadcast_in_dim3A_56] : memref<48x16xf32, #tpu.memory_space<vmem>>[vector<16xi32>, vector<16xi32>], vector<16xf32>,
      %max3A_384 = arith.constant 1.000000e-16 : f32
      %max3A_385 = vector.broadcast %max3A_384 : f32 to vector<16xf32>
      %max3A_386 = arith.maximumf %gather3A_383, %max3A_385 : vector<16xf32>
      %bitcast_convert_type3A_387 = tpu.bitcast %max3A_386 : vector<16xf32> -> vector<16xi32>
      %shift_right_arithmetic3A_388 = arith.constant 1 : i32
      %shift_right_arithmetic3A_389 = vector.broadcast %shift_right_arithmetic3A_388 : i32 to vector<16xi32>
      %shift_right_arithmetic3A_390 = arith.shrsi %bitcast_convert_type3A_387, %shift_right_arithmetic3A_389 : vector<16xi32>
      %sub3A_391 = arith.constant 1597463007 : i32
      %sub3A_392 = vector.broadcast %sub3A_391 : i32 to vector<16xi32>
      %sub3A_393 = arith.subi %sub3A_392, %shift_right_arithmetic3A_390 : vector<16xi32>
      %bitcast_convert_type3A_394 = tpu.bitcast %sub3A_393 : vector<16xi32> -> vector<16xf32>
      %mul3A_395 = arith.constant 5.000000e-01 : f32
      %mul3A_396 = vector.broadcast %mul3A_395 : f32 to vector<16xf32>
      %mul3A_397 = arith.mulf %mul3A_396, %max3A_386 : vector<16xf32>
      %mul3A_398 = arith.mulf %mul3A_397, %bitcast_convert_type3A_394 : vector<16xf32>
      %mul3A_399 = arith.mulf %mul3A_398, %bitcast_convert_type3A_394 : vector<16xf32>
      %sub3A_400 = arith.constant 1.500000e+00 : f32
      %sub3A_401 = vector.broadcast %sub3A_400 : f32 to vector<16xf32>
      %sub3A_402 = arith.subf %sub3A_401, %mul3A_399 : vector<16xf32>
      %mul3A_403 = arith.mulf %bitcast_convert_type3A_394, %sub3A_402 : vector<16xf32>
      %mul3A_404 = arith.constant 5.000000e-01 : f32
      %mul3A_405 = vector.broadcast %mul3A_404 : f32 to vector<16xf32>
      %mul3A_406 = arith.mulf %mul3A_405, %max3A_386 : vector<16xf32>
      %mul3A_407 = arith.mulf %mul3A_406, %mul3A_403 : vector<16xf32>
      %mul3A_408 = arith.mulf %mul3A_407, %mul3A_403 : vector<16xf32>
      %sub3A_409 = arith.constant 1.500000e+00 : f32
      %sub3A_410 = vector.broadcast %sub3A_409 : f32 to vector<16xf32>
      %sub3A_411 = arith.subf %sub3A_410, %mul3A_408 : vector<16xf32>
      %mul3A_412 = arith.mulf %mul3A_403, %sub3A_411 : vector<16xf32>
      %mul3A_413 = arith.constant 5.000000e-01 : f32
      %mul3A_414 = vector.broadcast %mul3A_413 : f32 to vector<16xf32>
      %mul3A_415 = arith.mulf %mul3A_414, %max3A_386 : vector<16xf32>
      %mul3A_416 = arith.mulf %mul3A_415, %mul3A_412 : vector<16xf32>
      %mul3A_417 = arith.mulf %mul3A_416, %mul3A_412 : vector<16xf32>
      %sub3A_418 = arith.constant 1.500000e+00 : f32
      %sub3A_419 = vector.broadcast %sub3A_418 : f32 to vector<16xf32>
      %sub3A_420 = arith.subf %sub3A_419, %mul3A_417 : vector<16xf32>
      %mul3A_421 = arith.mulf %mul3A_412, %sub3A_420 : vector<16xf32>
      %mul3A_422 = arith.mulf %gather3A_382, %mul3A_421 : vector<16xf32>
      %mul3A_423 = arith.mulf %mul3A_422, %mul3A_187 : vector<16xf32>
      %sub3A_424 = arith.constant 1.000000e+00 : f32
      %sub3A_425 = vector.broadcast %sub3A_424 : f32 to vector<16xf32>
      %sub3A_426 = arith.subf %sub3A_425, %mul3A_423 : vector<16xf32>
      %mul3A_427 = arith.constant 16 : i32
      %mul3A_428 = arith.muli %scan3A_377, %mul3A_427 : i32
      %swap3A_429 = arith.index_cast %mul3A_428 : i32 to index
      %swap3A_430 = tpu.vector_load %arg15[%swap3A_429] {strides = array<i32>} : memref<48xf32, #tpu.memory_space<vmem>>, vector<16xf32>,
      tpu.vector_store %arg15[%swap3A_429], %sub3A_426 {strides = array<i32>} : memref<48xf32, #tpu.memory_space<vmem>>, vector<16xf32>,
    }
    %scan3A_211 = arith.constant 3 : i32
    %dma_start3A_212 = arith.constant 0 : i32
    %dma_start3A_213 = arith.constant 0 : i32
    %dma_start3A_214 = tpu.memref_slice %arg15[%dma_start3A_213] : memref<48xf32, #tpu.memory_space<vmem>> -> memref<24xf32, #tpu.memory_space<vmem>>
    %dma_start3A_215 = arith.constant 0 : i32
    %dma_start3A_216 = tpu.memref_slice %arg20[%select_n3A_40, %dma_start3A_212, %select_n3A_54, %dma_start3A_215] : memref<4x2x4x128xf32, #tpu.memory_space<vmem_shared>> -> memref<1x1x1x24xf32, #tpu.memory_space<vmem_shared>>
    %dma_start3A_217 = tpu.memref_squeeze %dma_start3A_216 : memref<1x1x1x24xf32, #tpu.memory_space<vmem_shared>> -> memref<24xf32, #tpu.memory_space<vmem_shared>>
    %dma_start3A_218 = arith.constant 0 : i32
    %dma_start3A_219 = tpu.memref_slice %arg20[%select_n3A_40, %dma_start3A_212, %select_n3A_54, %dma_start3A_218] : memref<4x2x4x128xf32, #tpu.memory_space<vmem_shared>> -> memref<1x1x1x24xf32, #tpu.memory_space<vmem_shared>>
    %dma_start3A_220 = tpu.memref_squeeze %dma_start3A_219 : memref<1x1x1x24xf32, #tpu.memory_space<vmem_shared>> -> memref<24xf32, #tpu.memory_space<vmem_shared>>
    %dma_start3A_221 = arith.constant 0 : i32
    %dma_start3A_222 = tpu.memref_slice %arg15[%dma_start3A_221] : memref<48xf32, #tpu.memory_space<vmem>> -> memref<24xf32, #tpu.memory_space<vmem>>
    tpu.enqueue_dma source(%dma_start3A_222 : memref<24xf32, #tpu.memory_space<vmem>>) target(%dma_start3A_220 : memref<24xf32, #tpu.memory_space<vmem_shared>>) target_semaphore(%arg21 : memref<!tpu.dma_semaphore, #tpu.memory_space<semaphore_mem>>)
    %dma_start3A_223 = arith.constant 1 : i32
    %dma_start3A_224 = arith.constant 24 : i32
    %dma_start3A_225 = tpu.memref_slice %arg15[%dma_start3A_224] : memref<48xf32, #tpu.memory_space<vmem>> -> memref<24xf32, #tpu.memory_space<vmem>>
    %dma_start3A_226 = arith.constant 0 : i32
    %dma_start3A_227 = tpu.memref_slice %arg20[%select_n3A_40, %dma_start3A_223, %select_n3A_54, %dma_start3A_226] : memref<4x2x4x128xf32, #tpu.memory_space<vmem_shared>> -> memref<1x1x1x24xf32, #tpu.memory_space<vmem_shared>>
    %dma_start3A_228 = tpu.memref_squeeze %dma_start3A_227 : memref<1x1x1x24xf32, #tpu.memory_space<vmem_shared>> -> memref<24xf32, #tpu.memory_space<vmem_shared>>
    %dma_start3A_229 = arith.constant 0 : i32
    %dma_start3A_230 = tpu.memref_slice %arg20[%select_n3A_40, %dma_start3A_223, %select_n3A_54, %dma_start3A_229] : memref<4x2x4x128xf32, #tpu.memory_space<vmem_shared>> -> memref<1x1x1x24xf32, #tpu.memory_space<vmem_shared>>
    %dma_start3A_231 = tpu.memref_squeeze %dma_start3A_230 : memref<1x1x1x24xf32, #tpu.memory_space<vmem_shared>> -> memref<24xf32, #tpu.memory_space<vmem_shared>>
    %dma_start3A_232 = arith.constant 24 : i32
    %dma_start3A_233 = tpu.memref_slice %arg15[%dma_start3A_232] : memref<48xf32, #tpu.memory_space<vmem>> -> memref<24xf32, #tpu.memory_space<vmem>>
    tpu.enqueue_dma source(%dma_start3A_233 : memref<24xf32, #tpu.memory_space<vmem>>) target(%dma_start3A_231 : memref<24xf32, #tpu.memory_space<vmem_shared>>) target_semaphore(%arg21 : memref<!tpu.dma_semaphore, #tpu.memory_space<semaphore_mem>>)
    %dma_wait3A_234 = arith.constant 0 : i32
    %dma_wait3A_235 = arith.constant 0 : i32
    %dma_wait3A_236 = tpu.memref_slice %arg15[%dma_wait3A_235] : memref<48xf32, #tpu.memory_space<vmem>> -> memref<24xf32, #tpu.memory_space<vmem>>
    %dma_wait3A_237 = arith.constant 0 : i32
    %dma_wait3A_238 = tpu.memref_slice %arg20[%select_n3A_40, %dma_wait3A_234, %select_n3A_54, %dma_wait3A_237] : memref<4x2x4x128xf32, #tpu.memory_space<vmem_shared>> -> memref<1x1x1x24xf32, #tpu.memory_space<vmem_shared>>
    %dma_wait3A_239 = tpu.memref_squeeze %dma_wait3A_238 : memref<1x1x1x24xf32, #tpu.memory_space<vmem_shared>> -> memref<24xf32, #tpu.memory_space<vmem_shared>>
    %dma_wait3A_240 = arith.constant 0 : i32
    %dma_wait3A_241 = tpu.memref_slice %arg20[%select_n3A_40, %dma_wait3A_234, %select_n3A_54, %dma_wait3A_240] : memref<4x2x4x128xf32, #tpu.memory_space<vmem_shared>> -> memref<1x1x1x24xf32, #tpu.memory_space<vmem_shared>>
    %dma_wait3A_242 = tpu.memref_squeeze %dma_wait3A_241 : memref<1x1x1x24xf32, #tpu.memory_space<vmem_shared>> -> memref<24xf32, #tpu.memory_space<vmem_shared>>
    %dma_wait3A_243 = arith.constant 0 : i32
    %dma_wait3A_244 = tpu.memref_slice %arg15[%dma_wait3A_243] : memref<48xf32, #tpu.memory_space<vmem>> -> memref<24xf32, #tpu.memory_space<vmem>>
    tpu.wait_dma2 semaphore(%arg21 : memref<!tpu.dma_semaphore, #tpu.memory_space<semaphore_mem>>) src(%dma_wait3A_244 : memref<24xf32, #tpu.memory_space<vmem>>) dst(%dma_wait3A_242 : memref<24xf32, #tpu.memory_space<vmem_shared>>)
    %dma_wait3A_245 = arith.constant 1 : i32
    %dma_wait3A_246 = arith.constant 24 : i32
    %dma_wait3A_247 = tpu.memref_slice %arg15[%dma_wait3A_246] : memref<48xf32, #tpu.memory_space<vmem>> -> memref<24xf32, #tpu.memory_space<vmem>>
    %dma_wait3A_248 = arith.constant 0 : i32
    %dma_wait3A_249 = tpu.memref_slice %arg20[%select_n3A_40, %dma_wait3A_245, %select_n3A_54, %dma_wait3A_248] : memref<4x2x4x128xf32, #tpu.memory_space<vmem_shared>> -> memref<1x1x1x24xf32, #tpu.memory_space<vmem_shared>>
    %dma_wait3A_250 = tpu.memref_squeeze %dma_wait3A_249 : memref<1x1x1x24xf32, #tpu.memory_space<vmem_shared>> -> memref<24xf32, #tpu.memory_space<vmem_shared>>
    %dma_wait3A_251 = arith.constant 0 : i32
    %dma_wait3A_252 = tpu.memref_slice %arg20[%select_n3A_40, %dma_wait3A_245, %select_n3A_54, %dma_wait3A_251] : memref<4x2x4x128xf32, #tpu.memory_space<vmem_shared>> -> memref<1x1x1x24xf32, #tpu.memory_space<vmem_shared>>
    %dma_wait3A_253 = tpu.memref_squeeze %dma_wait3A_252 : memref<1x1x1x24xf32, #tpu.memory_space<vmem_shared>> -> memref<24xf32, #tpu.memory_space<vmem_shared>>
    %dma_wait3A_254 = arith.constant 24 : i32
    %dma_wait3A_255 = tpu.memref_slice %arg15[%dma_wait3A_254] : memref<48xf32, #tpu.memory_space<vmem>> -> memref<24xf32, #tpu.memory_space<vmem>>
    tpu.wait_dma2 semaphore(%arg21 : memref<!tpu.dma_semaphore, #tpu.memory_space<semaphore_mem>>) src(%dma_wait3A_255 : memref<24xf32, #tpu.memory_space<vmem>>) dst(%dma_wait3A_253 : memref<24xf32, #tpu.memory_space<vmem_shared>>)
    %barrier3A = arith.constant 0 : index
    tpu.barrier barrier_id(%barrier3A)
    %dma_start3A_256 = arith.constant 1 : i32
    %dma_start3A_257 = arith.constant 0 : i32
    %dma_start3A_258 = arith.constant 0 : i32
    %dma_start3A_259 = tpu.memref_slice %arg16[%dma_start3A_258] : memref<96xf32, #tpu.memory_space<vmem>> -> memref<24xf32, #tpu.memory_space<vmem>>
    %dma_start3A_260 = arith.constant 0 : i32
    %dma_start3A_261 = tpu.memref_slice %arg20[%select_n3A_40, %dma_start3A_256, %dma_start3A_257, %dma_start3A_260] : memref<4x2x4x128xf32, #tpu.memory_space<vmem_shared>> -> memref<1x1x1x24xf32, #tpu.memory_space<vmem_shared>>
    %dma_start3A_262 = tpu.memref_squeeze %dma_start3A_261 : memref<1x1x1x24xf32, #tpu.memory_space<vmem_shared>> -> memref<24xf32, #tpu.memory_space<vmem_shared>>
    %dma_start3A_263 = arith.constant 0 : i32
    %dma_start3A_264 = tpu.memref_slice %arg16[%dma_start3A_263] : memref<96xf32, #tpu.memory_space<vmem>> -> memref<24xf32, #tpu.memory_space<vmem>>
    %dma_start3A_265 = arith.constant 0 : i32
    %dma_start3A_266 = tpu.memref_slice %arg20[%select_n3A_40, %dma_start3A_256, %dma_start3A_257, %dma_start3A_265] : memref<4x2x4x128xf32, #tpu.memory_space<vmem_shared>> -> memref<1x1x1x24xf32, #tpu.memory_space<vmem_shared>>
    %dma_start3A_267 = tpu.memref_squeeze %dma_start3A_266 : memref<1x1x1x24xf32, #tpu.memory_space<vmem_shared>> -> memref<24xf32, #tpu.memory_space<vmem_shared>>
    tpu.enqueue_dma source(%dma_start3A_267 : memref<24xf32, #tpu.memory_space<vmem_shared>>) target(%dma_start3A_264 : memref<24xf32, #tpu.memory_space<vmem>>) target_semaphore(%arg21 : memref<!tpu.dma_semaphore, #tpu.memory_space<semaphore_mem>>)
    %dma_start3A_268 = arith.constant 1 : i32
    %dma_start3A_269 = arith.constant 1 : i32
    %dma_start3A_270 = arith.constant 24 : i32
    %dma_start3A_271 = tpu.memref_slice %arg16[%dma_start3A_270] : memref<96xf32, #tpu.memory_space<vmem>> -> memref<24xf32, #tpu.memory_space<vmem>>
    %dma_start3A_272 = arith.constant 0 : i32
    %dma_start3A_273 = tpu.memref_slice %arg20[%select_n3A_40, %dma_start3A_268, %dma_start3A_269, %dma_start3A_272] : memref<4x2x4x128xf32, #tpu.memory_space<vmem_shared>> -> memref<1x1x1x24xf32, #tpu.memory_space<vmem_shared>>
    %dma_start3A_274 = tpu.memref_squeeze %dma_start3A_273 : memref<1x1x1x24xf32, #tpu.memory_space<vmem_shared>> -> memref<24xf32, #tpu.memory_space<vmem_shared>>
    %dma_start3A_275 = arith.constant 24 : i32
    %dma_start3A_276 = tpu.memref_slice %arg16[%dma_start3A_275] : memref<96xf32, #tpu.memory_space<vmem>> -> memref<24xf32, #tpu.memory_space<vmem>>
    %dma_start3A_277 = arith.constant 0 : i32
    %dma_start3A_278 = tpu.memref_slice %arg20[%select_n3A_40, %dma_start3A_268, %dma_start3A_269, %dma_start3A_277] : memref<4x2x4x128xf32, #tpu.memory_space<vmem_shared>> -> memref<1x1x1x24xf32, #tpu.memory_space<vmem_shared>>
    %dma_start3A_279 = tpu.memref_squeeze %dma_start3A_278 : memref<1x1x1x24xf32, #tpu.memory_space<vmem_shared>> -> memref<24xf32, #tpu.memory_space<vmem_shared>>
    tpu.enqueue_dma source(%dma_start3A_279 : memref<24xf32, #tpu.memory_space<vmem_shared>>) target(%dma_start3A_276 : memref<24xf32, #tpu.memory_space<vmem>>) target_semaphore(%arg21 : memref<!tpu.dma_semaphore, #tpu.memory_space<semaphore_mem>>)
    %dma_start3A_280 = arith.constant 1 : i32
    %dma_start3A_281 = arith.constant 2 : i32
    %dma_start3A_282 = arith.constant 48 : i32
    %dma_start3A_283 = tpu.memref_slice %arg16[%dma_start3A_282] : memref<96xf32, #tpu.memory_space<vmem>> -> memref<24xf32, #tpu.memory_space<vmem>>
    %dma_start3A_284 = arith.constant 0 : i32
    %dma_start3A_285 = tpu.memref_slice %arg20[%select_n3A_40, %dma_start3A_280, %dma_start3A_281, %dma_start3A_284] : memref<4x2x4x128xf32, #tpu.memory_space<vmem_shared>> -> memref<1x1x1x24xf32, #tpu.memory_space<vmem_shared>>
    %dma_start3A_286 = tpu.memref_squeeze %dma_start3A_285 : memref<1x1x1x24xf32, #tpu.memory_space<vmem_shared>> -> memref<24xf32, #tpu.memory_space<vmem_shared>>
    %dma_start3A_287 = arith.constant 48 : i32
    %dma_start3A_288 = tpu.memref_slice %arg16[%dma_start3A_287] : memref<96xf32, #tpu.memory_space<vmem>> -> memref<24xf32, #tpu.memory_space<vmem>>
    %dma_start3A_289 = arith.constant 0 : i32
    %dma_start3A_290 = tpu.memref_slice %arg20[%select_n3A_40, %dma_start3A_280, %dma_start3A_281, %dma_start3A_289] : memref<4x2x4x128xf32, #tpu.memory_space<vmem_shared>> -> memref<1x1x1x24xf32, #tpu.memory_space<vmem_shared>>
    %dma_start3A_291 = tpu.memref_squeeze %dma_start3A_290 : memref<1x1x1x24xf32, #tpu.memory_space<vmem_shared>> -> memref<24xf32, #tpu.memory_space<vmem_shared>>
    tpu.enqueue_dma source(%dma_start3A_291 : memref<24xf32, #tpu.memory_space<vmem_shared>>) target(%dma_start3A_288 : memref<24xf32, #tpu.memory_space<vmem>>) target_semaphore(%arg21 : memref<!tpu.dma_semaphore, #tpu.memory_space<semaphore_mem>>)
    %dma_start3A_292 = arith.constant 1 : i32
    %dma_start3A_293 = arith.constant 3 : i32
    %dma_start3A_294 = arith.constant 72 : i32
    %dma_start3A_295 = tpu.memref_slice %arg16[%dma_start3A_294] : memref<96xf32, #tpu.memory_space<vmem>> -> memref<24xf32, #tpu.memory_space<vmem>>
    %dma_start3A_296 = arith.constant 0 : i32
    %dma_start3A_297 = tpu.memref_slice %arg20[%select_n3A_40, %dma_start3A_292, %dma_start3A_293, %dma_start3A_296] : memref<4x2x4x128xf32, #tpu.memory_space<vmem_shared>> -> memref<1x1x1x24xf32, #tpu.memory_space<vmem_shared>>
    %dma_start3A_298 = tpu.memref_squeeze %dma_start3A_297 : memref<1x1x1x24xf32, #tpu.memory_space<vmem_shared>> -> memref<24xf32, #tpu.memory_space<vmem_shared>>
    %dma_start3A_299 = arith.constant 72 : i32
    %dma_start3A_300 = tpu.memref_slice %arg16[%dma_start3A_299] : memref<96xf32, #tpu.memory_space<vmem>> -> memref<24xf32, #tpu.memory_space<vmem>>
    %dma_start3A_301 = arith.constant 0 : i32
    %dma_start3A_302 = tpu.memref_slice %arg20[%select_n3A_40, %dma_start3A_292, %dma_start3A_293, %dma_start3A_301] : memref<4x2x4x128xf32, #tpu.memory_space<vmem_shared>> -> memref<1x1x1x24xf32, #tpu.memory_space<vmem_shared>>
    %dma_start3A_303 = tpu.memref_squeeze %dma_start3A_302 : memref<1x1x1x24xf32, #tpu.memory_space<vmem_shared>> -> memref<24xf32, #tpu.memory_space<vmem_shared>>
    tpu.enqueue_dma source(%dma_start3A_303 : memref<24xf32, #tpu.memory_space<vmem_shared>>) target(%dma_start3A_300 : memref<24xf32, #tpu.memory_space<vmem>>) target_semaphore(%arg21 : memref<!tpu.dma_semaphore, #tpu.memory_space<semaphore_mem>>)
    %dma_wait3A_304 = arith.constant 1 : i32
    %dma_wait3A_305 = arith.constant 0 : i32
    %dma_wait3A_306 = arith.constant 0 : i32
    %dma_wait3A_307 = tpu.memref_slice %arg16[%dma_wait3A_306] : memref<96xf32, #tpu.memory_space<vmem>> -> memref<24xf32, #tpu.memory_space<vmem>>
    %dma_wait3A_308 = arith.constant 0 : i32
    %dma_wait3A_309 = tpu.memref_slice %arg20[%select_n3A_40, %dma_wait3A_304, %dma_wait3A_305, %dma_wait3A_308] : memref<4x2x4x128xf32, #tpu.memory_space<vmem_shared>> -> memref<1x1x1x24xf32, #tpu.memory_space<vmem_shared>>
    %dma_wait3A_310 = tpu.memref_squeeze %dma_wait3A_309 : memref<1x1x1x24xf32, #tpu.memory_space<vmem_shared>> -> memref<24xf32, #tpu.memory_space<vmem_shared>>
    %dma_wait3A_311 = arith.constant 0 : i32
    %dma_wait3A_312 = tpu.memref_slice %arg16[%dma_wait3A_311] : memref<96xf32, #tpu.memory_space<vmem>> -> memref<24xf32, #tpu.memory_space<vmem>>
    %dma_wait3A_313 = arith.constant 0 : i32
    %dma_wait3A_314 = tpu.memref_slice %arg20[%select_n3A_40, %dma_wait3A_304, %dma_wait3A_305, %dma_wait3A_313] : memref<4x2x4x128xf32, #tpu.memory_space<vmem_shared>> -> memref<1x1x1x24xf32, #tpu.memory_space<vmem_shared>>
    %dma_wait3A_315 = tpu.memref_squeeze %dma_wait3A_314 : memref<1x1x1x24xf32, #tpu.memory_space<vmem_shared>> -> memref<24xf32, #tpu.memory_space<vmem_shared>>
    tpu.wait_dma2 semaphore(%arg21 : memref<!tpu.dma_semaphore, #tpu.memory_space<semaphore_mem>>) src(%dma_wait3A_315 : memref<24xf32, #tpu.memory_space<vmem_shared>>) dst(%dma_wait3A_312 : memref<24xf32, #tpu.memory_space<vmem>>)
    %dma_wait3A_316 = arith.constant 1 : i32
    %dma_wait3A_317 = arith.constant 1 : i32
    %dma_wait3A_318 = arith.constant 24 : i32
    %dma_wait3A_319 = tpu.memref_slice %arg16[%dma_wait3A_318] : memref<96xf32, #tpu.memory_space<vmem>> -> memref<24xf32, #tpu.memory_space<vmem>>
    %dma_wait3A_320 = arith.constant 0 : i32
    %dma_wait3A_321 = tpu.memref_slice %arg20[%select_n3A_40, %dma_wait3A_316, %dma_wait3A_317, %dma_wait3A_320] : memref<4x2x4x128xf32, #tpu.memory_space<vmem_shared>> -> memref<1x1x1x24xf32, #tpu.memory_space<vmem_shared>>
    %dma_wait3A_322 = tpu.memref_squeeze %dma_wait3A_321 : memref<1x1x1x24xf32, #tpu.memory_space<vmem_shared>> -> memref<24xf32, #tpu.memory_space<vmem_shared>>
    %dma_wait3A_323 = arith.constant 24 : i32
    %dma_wait3A_324 = tpu.memref_slice %arg16[%dma_wait3A_323] : memref<96xf32, #tpu.memory_space<vmem>> -> memref<24xf32, #tpu.memory_space<vmem>>
    %dma_wait3A_325 = arith.constant 0 : i32
    %dma_wait3A_326 = tpu.memref_slice %arg20[%select_n3A_40, %dma_wait3A_316, %dma_wait3A_317, %dma_wait3A_325] : memref<4x2x4x128xf32, #tpu.memory_space<vmem_shared>> -> memref<1x1x1x24xf32, #tpu.memory_space<vmem_shared>>
    %dma_wait3A_327 = tpu.memref_squeeze %dma_wait3A_326 : memref<1x1x1x24xf32, #tpu.memory_space<vmem_shared>> -> memref<24xf32, #tpu.memory_space<vmem_shared>>
    tpu.wait_dma2 semaphore(%arg21 : memref<!tpu.dma_semaphore, #tpu.memory_space<semaphore_mem>>) src(%dma_wait3A_327 : memref<24xf32, #tpu.memory_space<vmem_shared>>) dst(%dma_wait3A_324 : memref<24xf32, #tpu.memory_space<vmem>>)
    %dma_wait3A_328 = arith.constant 1 : i32
    %dma_wait3A_329 = arith.constant 2 : i32
    %dma_wait3A_330 = arith.constant 48 : i32
    %dma_wait3A_331 = tpu.memref_slice %arg16[%dma_wait3A_330] : memref<96xf32, #tpu.memory_space<vmem>> -> memref<24xf32, #tpu.memory_space<vmem>>
    %dma_wait3A_332 = arith.constant 0 : i32
    %dma_wait3A_333 = tpu.memref_slice %arg20[%select_n3A_40, %dma_wait3A_328, %dma_wait3A_329, %dma_wait3A_332] : memref<4x2x4x128xf32, #tpu.memory_space<vmem_shared>> -> memref<1x1x1x24xf32, #tpu.memory_space<vmem_shared>>
    %dma_wait3A_334 = tpu.memref_squeeze %dma_wait3A_333 : memref<1x1x1x24xf32, #tpu.memory_space<vmem_shared>> -> memref<24xf32, #tpu.memory_space<vmem_shared>>
    %dma_wait3A_335 = arith.constant 48 : i32
    %dma_wait3A_336 = tpu.memref_slice %arg16[%dma_wait3A_335] : memref<96xf32, #tpu.memory_space<vmem>> -> memref<24xf32, #tpu.memory_space<vmem>>
    %dma_wait3A_337 = arith.constant 0 : i32
    %dma_wait3A_338 = tpu.memref_slice %arg20[%select_n3A_40, %dma_wait3A_328, %dma_wait3A_329, %dma_wait3A_337] : memref<4x2x4x128xf32, #tpu.memory_space<vmem_shared>> -> memref<1x1x1x24xf32, #tpu.memory_space<vmem_shared>>
    %dma_wait3A_339 = tpu.memref_squeeze %dma_wait3A_338 : memref<1x1x1x24xf32, #tpu.memory_space<vmem_shared>> -> memref<24xf32, #tpu.memory_space<vmem_shared>>
    tpu.wait_dma2 semaphore(%arg21 : memref<!tpu.dma_semaphore, #tpu.memory_space<semaphore_mem>>) src(%dma_wait3A_339 : memref<24xf32, #tpu.memory_space<vmem_shared>>) dst(%dma_wait3A_336 : memref<24xf32, #tpu.memory_space<vmem>>)
    %dma_wait3A_340 = arith.constant 1 : i32
    %dma_wait3A_341 = arith.constant 3 : i32
    %dma_wait3A_342 = arith.constant 72 : i32
    %dma_wait3A_343 = tpu.memref_slice %arg16[%dma_wait3A_342] : memref<96xf32, #tpu.memory_space<vmem>> -> memref<24xf32, #tpu.memory_space<vmem>>
    %dma_wait3A_344 = arith.constant 0 : i32
    %dma_wait3A_345 = tpu.memref_slice %arg20[%select_n3A_40, %dma_wait3A_340, %dma_wait3A_341, %dma_wait3A_344] : memref<4x2x4x128xf32, #tpu.memory_space<vmem_shared>> -> memref<1x1x1x24xf32, #tpu.memory_space<vmem_shared>>
    %dma_wait3A_346 = tpu.memref_squeeze %dma_wait3A_345 : memref<1x1x1x24xf32, #tpu.memory_space<vmem_shared>> -> memref<24xf32, #tpu.memory_space<vmem_shared>>
    %dma_wait3A_347 = arith.constant 72 : i32
    %dma_wait3A_348 = tpu.memref_slice %arg16[%dma_wait3A_347] : memref<96xf32, #tpu.memory_space<vmem>> -> memref<24xf32, #tpu.memory_space<vmem>>
    %dma_wait3A_349 = arith.constant 0 : i32
    %dma_wait3A_350 = tpu.memref_slice %arg20[%select_n3A_40, %dma_wait3A_340, %dma_wait3A_341, %dma_wait3A_349] : memref<4x2x4x128xf32, #tpu.memory_space<vmem_shared>> -> memref<1x1x1x24xf32, #tpu.memory_space<vmem_shared>>
    %dma_wait3A_351 = tpu.memref_squeeze %dma_wait3A_350 : memref<1x1x1x24xf32, #tpu.memory_space<vmem_shared>> -> memref<24xf32, #tpu.memory_space<vmem_shared>>
    tpu.wait_dma2 semaphore(%arg21 : memref<!tpu.dma_semaphore, #tpu.memory_space<semaphore_mem>>) src(%dma_wait3A_351 : memref<24xf32, #tpu.memory_space<vmem_shared>>) dst(%dma_wait3A_348 : memref<24xf32, #tpu.memory_space<vmem>>)
    %gather3A_352 = tpu.vector_load_idx %arg8[%broadcast_in_dim3A] : memref<16xi32, #tpu.memory_space<vmem>>[vector<16xi32>], vector<16xi32>,
    %gather3A_353 = tpu.vector_load_idx %arg9[%broadcast_in_dim3A] : memref<16xi32, #tpu.memory_space<vmem>>[vector<16xi32>], vector<16xi32>,
    %broadcast_in_dim3A_354 = arith.constant 0.000000e+00 : f32
    %broadcast_in_dim3A_355 = vector.broadcast %broadcast_in_dim3A_354 : f32 to vector<16xf32>
    %broadcast_in_dim3A_356 = arith.constant 0.000000e+00 : f32
    %broadcast_in_dim3A_357 = vector.broadcast %broadcast_in_dim3A_356 : f32 to vector<16xf32>
    %scan3A_358 = arith.constant 0 : i32
    %scan3A_359 = arith.constant 24 : i32
    %scan3A_360 = arith.addi %scan3A_358, %scan3A_359 : i32
    %scan3A_361 = arith.constant 1 : i32
    %scan3A_362 = scf.for %scan3A_377 = %scan3A_358 to %scan3A_360 step %scan3A_361 iter_args(%scan3A_378 = %broadcast_in_dim3A_357) -> (vector<16xf32>)  : i32 {
      %broadcast_in_dim3A_379 = vector.broadcast %scan3A_377 : i32 to vector<16xi32>
      %gather3A_380 = tpu.vector_load_idx %arg15[%broadcast_in_dim3A_379] : memref<48xf32, #tpu.memory_space<vmem>>[vector<16xi32>], vector<16xf32>,
      %add3A_381 = arith.addi %mul3A_99, %scan3A_377 : i32
      %broadcast_in_dim3A_382 = vector.broadcast %add3A_381 : i32 to vector<16xi32>
      %lt3A_383 = arith.cmpi slt, %broadcast_in_dim3A_382, %gather3A_352 : vector<16xi32>
      %scan3A_384 = arith.constant 0 : i32
      %scan3A_385 = arith.constant 6 : i32
      %scan3A_386 = arith.addi %scan3A_384, %scan3A_385 : i32
      %scan3A_387 = arith.constant 1 : i32
      %scan3A_388 = scf.for %scan3A_390 = %scan3A_384 to %scan3A_386 step %scan3A_387 iter_args(%scan3A_391 = %scan3A_378) -> (vector<16xf32>)  : i32 {
        %mul3A_392 = arith.constant 16 : i32
        %mul3A_393 = arith.muli %scan3A_390, %mul3A_392 : i32
        %get3A_394 = arith.index_cast %mul3A_393 : i32 to index
        %get3A_395 = tpu.vector_load %arg16[%get3A_394] {strides = array<i32>} : memref<96xf32, #tpu.memory_space<vmem>>, vector<16xf32>,
        %mul3A_396 = arith.constant 16 : i32
        %mul3A_397 = arith.muli %scan3A_390, %mul3A_396 : i32
        %add3A_398 = vector.broadcast %mul3A_397 : i32 to vector<16xi32>
        %add3A_399 = arith.addi %iota3A, %add3A_398 : vector<16xi32>
        %lt3A_400 = arith.cmpi slt, %add3A_399, %gather3A_353 : vector<16xi32>
        %sub3A_401 = arith.subf %gather3A_380, %get3A_395 : vector<16xf32>
        %add3A_402 = arith.constant 1.000000e+00 : f32
        %add3A_403 = vector.broadcast %add3A_402 : f32 to vector<16xf32>
        %add3A_404 = arith.addf %sub3A_401, %add3A_403 : vector<16xf32>
        %max3A_405 = arith.constant 0.000000e+00 : f32
        %max3A_406 = vector.broadcast %max3A_405 : f32 to vector<16xf32>
        %max3A_407 = arith.maximumf %add3A_404, %max3A_406 : vector<16xf32>
        %and3A_408 = arith.andi %lt3A_383, %lt3A_400 : vector<16xi1>
        %select_n3A_409 = arith.select %and3A_408, %max3A_407, %broadcast_in_dim3A_355 : vector<16xi1>, vector<16xf32>
        %add3A_410 = arith.addf %scan3A_391, %select_n3A_409 : vector<16xf32>
        scf.yield %add3A_410 : vector<16xf32>
      }
      %scan3A_389 = arith.constant 6 : i32
      scf.yield %scan3A_388 : vector<16xf32>
    }
    %scan3A_363 = arith.constant 24 : i32
    %mul3A_364 = arith.constant 16 : i32
    %mul3A_365 = arith.muli %arg0, %mul3A_364 : i32
    %add3A_366 = arith.addi %mul3A_365, %arg1 : i32
    %swap3A_367 = arith.constant 0 : index
    %swap3A_368 = tpu.vector_load %arg17[%swap3A_367] {strides = array<i32>} : memref<16xf32, #tpu.memory_space<vmem>>, vector<16xf32>,
    tpu.vector_store %arg17[%swap3A_367], %scan3A_362 {strides = array<i32>} : memref<16xf32, #tpu.memory_space<vmem>>, vector<16xf32>,
    %mul3A_369 = arith.constant 16 : i32
    %mul3A_370 = arith.muli %add3A_366, %mul3A_369 : i32
    "tpu.region"() ({
      %run_scoped3A = tpu.sem_alloc : memref<!tpu.dma_semaphore, #tpu.memory_space<semaphore_mem>>
      %dma_start3A_377 = tpu.memref_slice %arg7[%mul3A_370] : memref<528xf32, #tpu.memory_space<hbm>> -> memref<16xf32, #tpu.memory_space<hbm>>
      %dma_start3A_378 = tpu.memref_slice %arg7[%mul3A_370] : memref<528xf32, #tpu.memory_space<hbm>> -> memref<16xf32, #tpu.memory_space<hbm>>
      tpu.enqueue_dma source(%arg17 : memref<16xf32, #tpu.memory_space<vmem>>) target(%dma_start3A_378 : memref<16xf32, #tpu.memory_space<hbm>>) target_semaphore(%run_scoped3A : memref<!tpu.dma_semaphore, #tpu.memory_space<semaphore_mem>>)
      %dma_wait3A_379 = tpu.memref_slice %arg7[%mul3A_370] : memref<528xf32, #tpu.memory_space<hbm>> -> memref<16xf32, #tpu.memory_space<hbm>>
      %dma_wait3A_380 = tpu.memref_slice %arg7[%mul3A_370] : memref<528xf32, #tpu.memory_space<hbm>> -> memref<16xf32, #tpu.memory_space<hbm>>
      tpu.wait_dma2 semaphore(%run_scoped3A : memref<!tpu.dma_semaphore, #tpu.memory_space<semaphore_mem>>) src(%arg17 : memref<16xf32, #tpu.memory_space<vmem>>) dst(%dma_wait3A_380 : memref<16xf32, #tpu.memory_space<hbm>>)
      tpu.yield
    }) : () -> ()
    %eq3A_371 = arith.constant 0 : i32
    %eq3A_372 = arith.cmpi eq, %arg1, %eq3A_371 : i32
    %eq3A_373 = arith.constant 0 : i32
    %eq3A_374 = arith.cmpi eq, %arg0, %eq3A_373 : i32
    %and3A_375 = arith.andi %eq3A_372, %eq3A_374 : i1
    %convert_element_type3A = arith.extui %and3A_375 : i1 to i32
    %cond3A = arith.constant 0 : i32
    %cond3A_376 = arith.cmpi ne, %convert_element_type3A, %cond3A : i32
    scf.if %cond3A_376 {
      %mul3A_377 = arith.muli %get3A_76, %get3A_78 : vector<16xi32>
      %convert_element_type3A_378 = arith.sitofp %mul3A_377 : vector<16xi32> to vector<16xf32>
      %swap3A_379 = arith.constant 0 : index
      %swap3A_380 = tpu.vector_load %arg17[%swap3A_379] {strides = array<i32>} : memref<16xf32, #tpu.memory_space<vmem>>, vector<16xf32>,
      tpu.vector_store %arg17[%swap3A_379], %convert_element_type3A_378 {strides = array<i32>} : memref<16xf32, #tpu.memory_space<vmem>>, vector<16xf32>,
      "tpu.region"() ({
        %run_scoped3A = tpu.sem_alloc : memref<!tpu.dma_semaphore, #tpu.memory_space<semaphore_mem>>
        %dma_start3A_381 = arith.constant 512 : i32
        %dma_start3A_382 = tpu.memref_slice %arg7[%dma_start3A_381] : memref<528xf32, #tpu.memory_space<hbm>> -> memref<16xf32, #tpu.memory_space<hbm>>
        %dma_start3A_383 = arith.constant 512 : i32
        %dma_start3A_384 = tpu.memref_slice %arg7[%dma_start3A_383] : memref<528xf32, #tpu.memory_space<hbm>> -> memref<16xf32, #tpu.memory_space<hbm>>
        tpu.enqueue_dma source(%arg17 : memref<16xf32, #tpu.memory_space<vmem>>) target(%dma_start3A_384 : memref<16xf32, #tpu.memory_space<hbm>>) target_semaphore(%run_scoped3A : memref<!tpu.dma_semaphore, #tpu.memory_space<semaphore_mem>>)
        %dma_wait3A_385 = arith.constant 512 : i32
        %dma_wait3A_386 = tpu.memref_slice %arg7[%dma_wait3A_385] : memref<528xf32, #tpu.memory_space<hbm>> -> memref<16xf32, #tpu.memory_space<hbm>>
        %dma_wait3A_387 = arith.constant 512 : i32
        %dma_wait3A_388 = tpu.memref_slice %arg7[%dma_wait3A_387] : memref<528xf32, #tpu.memory_space<hbm>> -> memref<16xf32, #tpu.memory_space<hbm>>
        tpu.wait_dma2 semaphore(%run_scoped3A : memref<!tpu.dma_semaphore, #tpu.memory_space<semaphore_mem>>) src(%arg17 : memref<16xf32, #tpu.memory_space<vmem>>) dst(%dma_wait3A_388 : memref<16xf32, #tpu.memory_space<hbm>>)
        tpu.yield
      }) : () -> ()
    } else {
    }
    return
  }
}

</mosaic_0001>

<sc_bundles>
// kernel: _wsdm_sc.3.cloned.1.call-start
scs
__scs_entry_jumppad:
0x0: {  	(pc) =	sbr.rel $0x88, $3  }
0x1: {  	(tag) =	ssettag $0x0;
	lr =	simm.s32 $0x1  }
0x2: {  	[smem:$0x3F9C] =	sst lr;
	_ =	strace $0xD0000000  }
0x3: {  	_ = 	snop  }
0x4: {  	_ = 	snop  }
0x5: {  	_ = 	snop  }
0x6: {  	_ = 	snop  }
0x7: {  	_ = 	snop  }
__scs_overlays_trampoline_lowered:
0x8: {  	[smem:$0x3FAB] =	sst s0  }
0x9: {  	[smem:$0x3FAC] =	sst s1  }
0xa: {  	[smem:$0x3FAD] =	sst s2  }
0xb: {  	[smem:$0x3FAE] =	sst s3  }
0xc: {  	[smem:$0x3FAF] =	sst s4  }
0xd: {  	[smem:$0x3FB0] =	sst s5  }
0xe: {  	[smem:$0x3FB1] =	sst s6  }
0xf: {  	[smem:$0x3FB2] =	sst s7  }
0x10: {  	[smem:$0x3FB3] =	sst s8  }
0x11: {  	[smem:$0x3FB4] =	sst s9;
	s0 =	simm.s32 @!p0 $0x0  }
0x12: {  	s1 =	sld [smem:$0x3F9A];
	s0 =	simm.s32 @p0 $0x1  }
0x13: {  	[smem:$0x3FB5] =	sst s0;
	s0 =	simm.s32 @!p1 $0x0  }
0x14: {  	s2 =	sld [smem:$0x3F99];
	s0 =	simm.s32 @p1 $0x1  }
0x15: {  	[smem:$0x3FB6] =	sst s0;
	s0 =	simm.s32 @!p2 $0x0  }
0x16: {  	s3 =	sld [smem:$0x3FDB];
	s0 =	simm.s32 @p2 $0x1  }
0x17: {  	s4 =	simm.s32 $0x1BF5;
	[smem:$0x3FB8] =	sst s0  }
0x18: {  	s0 =	sld [smem:$0x3F9B];
	_ =	swait.ge [sflag:s4], $0x0  }
0x19: {  	s7 =	sld [smem:$0x3F9C]  }
0x1a: {  	s8 =	sadd.s32 $0xFFFFE003, lr  }
0x1b: {  	s9 =	sadd.s32 $0xFFFFFEF7, lr;
	s5 =	simm.s32 $0xFFFFFFFF;
	p2 =	slt.u32 s8, $0xFFFFF086  }
0x1c: {  	p1 =	slt.u32 s9, $0xF7A;
	s5 =	simm.s32 @!p2 $0x0  }
0x1d: {  	s5 =	simm.s32 @p1 $0x1;
	p0 =	seq.s32 s7, s2  }
0x1e: {  	s7 =	smul.u32 @!p0 $0xF7A, s2;
	p2 =	seq.s32 @!p0 s5, $0x0  }
0x1f: {  	s9 =	smul.u32 $0xF7A, s1;
	s8 =	simm.s32 @!p0 $0x1BF5;
	p2 =	por !p2, p0  }
0x20: {  	[sflag:s8] =	ssyncset.s32 @!p0 $0xFFFFF086;
	s6 =	sadd.s32 @!p0 s3, s7;
	s7 =	simm.s32 @!p0 $0x108  }
0x21: {  	s3 =	sadd.s32 s3, s9;
	s6 =	sadd.s32 @!p0 $0x88, s6;
	s7 =	simm.s32 @p2 $0x1082  }
0x22: {  	[simem:s7], [sflag:s8] =	dma.local @!p0 [hbm:s6], $0xF7A  }
0x23: {  	s9 =	sor.u32 $0xD0000000, s2;
	s6 =	simm.s32 $0x108;
	_ =	swait.ge @!p0 [sflag:s8], $0x0  }
0x24: {  	s3 =	sadd.s32 $0x88, s3;
	s6 =	simm.s32 @!p1 $0x1082;
	[sflag:s4] =	ssyncset.s32 $0xFFFFF086  }
0x25: {  	[simem:s6], [sflag:s4] =	dma.local [hbm:s3], $0xF7A  }
0x26: {  	[smem:$0x3F9C] =	sst s1;
	(tag) =	ssettag s2;
	_ =	strace s9  }
0x27: {  	s1 =	sld [smem:$0x3FAC]  }
0x28: {  	s2 =	sld [smem:$0x3FAD]  }
0x29: {  	s4 =	sld [smem:$0x3FAF]  }
0x2a: {  	p0 =	seq.s32 s5, $0x0;
	s5 =	sld [smem:$0x3FB0]  }
0x2b: {  	s6 =	sld [smem:$0x3FB1]  }
0x2c: {  	s7 =	sld [smem:$0x3FB2]  }
0x2d: {  	s3 =	simm.s32 $0x108;
	s8 =	sld [smem:$0x3FB3]  }
0x2e: {  	s3 =	simm.s32 @!p0 $0x1082;
	s9 =	sld [smem:$0x3FB4]  }
0x2f: {  	lr =	sadd.s32 s0, s3;
	s0 =	sld [smem:$0x3FAB]  }
0x30: {  	s3 =	sld [smem:$0x3FAE]  }
0x31: {  	[smem:$0x3FB7] =	sst s10  }
0x32: {  	s10 =	sld [smem:$0x3FB5];
	_ =	sdelay $0x3  }
0x33: {  	p0 =	seq.s32 s10, $0x1;
	s10 =	sld [smem:$0x3FB7];
	_ =	sdelay $0x3  }
0x34: {  	[smem:$0x3FB7] =	sst s10  }
0x35: {  	s10 =	sld [smem:$0x3FB6];
	_ =	sdelay $0x3  }
0x36: {  	p1 =	seq.s32 s10, $0x1;
	s10 =	sld [smem:$0x3FB7];
	_ =	sdelay $0x3  }
0x37: {  	[smem:$0x3FB7] =	sst s10  }
0x38: {  	s10 =	sld [smem:$0x3FB8]  }
0x39: {  	_ = 	snop;
	(pc) =	sbr.ind lr, $3  }
0x3a: {  	_ = 	snop  }
0x3b: {  	_ = 	snop  }
0x3c: {  	p2 =	seq.s32 s10, $0x1;
	s10 =	sld [smem:$0x3FB7]  }
0x3d: {  	_ =	shalt  }
0x3e: {  	_ =	shalt  }
0x3f: {  	_ =	shalt  }
0x40: {  	_ =	shalt  }
0x41: {  	_ =	shalt  }
0x42: {  	_ =	shalt  }
0x43: {  	_ =	shalt  }
0x44: {  	_ =	shalt  }
0x45: {  	_ =	shalt  }
0x46: {  	_ =	shalt  }
0x47: {  	_ =	shalt  }
0x48: {  	_ =	shalt  }
0x49: {  	_ =	shalt  }
0x4a: {  	_ =	shalt  }
0x4b: {  	_ =	shalt  }
0x4c: {  	_ =	shalt  }
0x4d: {  	_ =	shalt  }
0x4e: {  	_ =	shalt  }
0x4f: {  	_ =	shalt  }
0x50: {  	_ =	shalt  }
0x51: {  	_ =	shalt  }
0x52: {  	_ =	shalt  }
0x53: {  	_ =	shalt  }
0x54: {  	_ =	shalt  }
0x55: {  	_ =	shalt  }
0x56: {  	_ =	shalt  }
0x57: {  	_ =	shalt  }
0x58: {  	_ =	shalt  }
0x59: {  	_ =	shalt  }
0x5a: {  	_ =	shalt  }
0x5b: {  	_ =	shalt  }
0x5c: {  	_ =	shalt  }
0x5d: {  	_ =	shalt  }
0x5e: {  	_ =	shalt  }
0x5f: {  	_ =	shalt  }
0x60: {  	_ =	shalt  }
0x61: {  	_ =	shalt  }
0x62: {  	_ =	shalt  }
0x63: {  	_ =	shalt  }
0x64: {  	_ =	shalt  }
0x65: {  	_ =	shalt  }
0x66: {  	_ =	shalt  }
0x67: {  	_ =	shalt  }
0x68: {  	_ =	shalt  }
0x69: {  	_ =	shalt  }
0x6a: {  	_ =	shalt  }
0x6b: {  	_ =	shalt  }
0x6c: {  	_ =	shalt  }
0x6d: {  	_ =	shalt  }
0x6e: {  	_ =	shalt  }
0x6f: {  	_ =	shalt  }
0x70: {  	_ =	shalt  }
0x71: {  	_ =	shalt  }
0x72: {  	_ =	shalt  }
0x73: {  	_ =	shalt  }
0x74: {  	_ =	shalt  }
0x75: {  	_ =	shalt  }
0x76: {  	_ =	shalt  }
0x77: {  	_ =	shalt  }
0x78: {  	_ =	shalt  }
0x79: {  	_ =	shalt  }
0x7a: {  	_ =	shalt  }
0x7b: {  	_ =	shalt  }
0x7c: {  	_ =	shalt  }
0x7d: {  	_ =	shalt  }
0x7e: {  	_ =	shalt  }
0x7f: {  	_ =	shalt  }
0x80: {  	_ =	shalt  }
0x81: {  	_ =	shalt  }
0x82: {  	_ =	shalt  }
0x83: {  	_ =	shalt  }
0x84: {  	_ =	shalt  }
0x85: {  	_ =	shalt  }
0x86: {  	_ =	shalt  }
0x87: {  	_ =	shalt  }
.Lfunc_end0:
.L_simem_size_0:
called_computation_lowered:
.L_overlay_start_0:
0x88: {  	s2 =	sld [smem:$0x3FD9]  }
0x89: {  	s3 =	sld [smem:$0x3FFE];
	_ =	sdelay $0x1  }
0x8a: {  	s1 =	srdreg.scid  }
0x8b: {  	s0 =	sand.u32 $0x1, s1  }
0x8c: {  	s18 =	sshll.u32 s0, $0xA;
	s2 =	sadd.s32 s3, s2  }
0x8d: {  	s2 =	sadd.s32 s2, s18  }
0x8e: {  	[smem:$0x3FC3] =	sst s2  }
0x8f: {  	_ = 	snop  }
0x90: {  	s2 =	sld [smem:$0x3FC9]  }
0x91: {  	s19 =	sld [smem:$0x3FC8]  }
0x92: {  	s4 =	sld [smem:$0x3FC7]  }
0x93: {  	s5 =	sld [smem:$0x3FC6]  }
0x94: {  	s6 =	sld [smem:$0x3FC5]  }
0x95: {  	s7 =	sld [smem:$0x3FD0];
	(tm) =	ssettm $0x1  }
0x96: {  	s8 =	sld [smem:$0x3FFB];
	_ =	sdelay $0x3  }
0x97: {  	_ =	strace s8  }
0x98: {  	s8 =	sld [smem:$0x3FFC];
	_ =	sdelay $0x3  }
0x99: {  	_ =	strace s8  }
0x9a: {  	s8 =	sld [smem:$0x3FFD];
	_ =	sdelay $0x3  }
0x9b: {  	_ =	strace s8  }
0x9c: {  	_ =	strace $0x8FFFFFFF  }
0x9d: {  	s20 =	sld [smem:$0x3FDB];
	_ =	sdelay $0x1  }
0x9e: {  	s9 =	simm.s32 $_scs_section_size  }
0x9f: {  	s10 =	simm.s32 $_size__tile_overlayer_lowered;
	s11 =	simm.s32 $_tile_overlayer_lowered  }
0xa0: {  	s23 =	simm.s32 $0x1BFF;
	s22 =	sshll.u32 s11, $0x1;
	s8 =	sadd.s32 s9, s20  }
0xa1: {  	s12 =	simm.s32 $0x0;
	s21 =	sshll.u32 s10, $0x1;
	s10 =	sadd.s32 s22, s8  }
0xa2: {  	[timem:s12], [sflag:s23] =	dma.local [hbm:s10], s21  }
0xa3: {  	_ =	swait.ge [sflag:s23], s21  }
0xa4: {  	s9 =	ssub.s32 $0x0, s21;
	[sflag:s23] =	ssyncset.done $0x0  }
0xa5: {  	[sflag:s23] =	ssyncadd.s32 s9;
	_ =	sdelay $0x1  }
0xa6: {  	s24 =	simm.s32 $0x1B8B  }
0xa7: {  	_ =	swait.ge [sflag:s24], $0x1  }
0xa8: {  	[sflag:s24] =	ssyncset.done $0x0  }
0xa9: {  	s25 =	simm.s32 $0x1B8E;
	[sflag:s24] =	ssyncadd.s32 $0xFFFFFFFF  }
0xaa: {  	s26 =	simm.s32 $execute0_lowered;
	[smem:$0x3FD2] =	sst s25  }
0xab: {  	s9 =	sshll.u32 s26, $0x1;
	_ =	strace $0x80000046;
	[dreg:$0x1] =	wrdreg $0xFFFFFFFF  }
0xac: {  	s28 =	simm.s32 $_size_execute0_lowered;
	s8 =	sadd.s32 s8, s9;
	[dreg:$0x0] =	wrdreg $0x0  }
0xad: {  	s9 =	sshll.u32 s28, $0x1;
	[dreg:$0x2] =	wrdreg s8  }
0xae: {  	[dreg:$0x3] =	wrdreg s9  }
0xaf: {  	[dreg:$0x4] =	wrdreg $0xC0  }
0xb0: {  	_ =	task [dreg:s12], $0x5FFFF  }
0xb1: {  	[dreg:$0x1] =	wrdreg $0xFFFFFFFF  }
0xb2: {  	[dreg:$0x0] =	wrdreg $0x60  }
0xb3: {  	[dreg:$0x2] =	wrdreg s2  }
0xb4: {  	[dreg:$0x3] =	wrdreg s19  }
0xb5: {  	[dreg:$0x4] =	wrdreg s4  }
0xb6: {  	[dreg:$0x5] =	wrdreg s5  }
0xb7: {  	[dreg:$0x6] =	wrdreg s6  }
0xb8: {  	[dreg:$0x7] =	wrdreg s7  }
0xb9: {  	[dreg:$0x8] =	wrdreg $0xDC800  }
0xba: {  	[dreg:$0x9] =	wrdreg $0x9  }
0xbb: {  	_ =	task.clear_ibuf [dreg:s12], $0xAFFFF;
	_ =	strace $0x90000046  }
0xbc: {  	s29 =	simm.s32 $0x9;
	_ =	strace $0x80000048  }
0xbd: {  	_ =	swait.ge [sflag:s29], $0x1  }
0xbe: {  	[sflag:s29] =	ssyncadd.s32 $0xFFFFFFFF  }
0xbf: {  	_ =	strace $0x90000048  }
0xc0: {  	_ =	sfence  }
0xc1: {  	s30 =	sld [smem:$0x0];
	_ =	sdelay $0x2  }
0xc2: {  	s31 =	sshll.u32 s1, $0xD;
	s1 =	sshrl.u32 s1, $0x2  }
0xc3: {  	s3 =	sand.u32 $0x4000, s31;
	s1 =	sadd.s32 s1, s30  }
0xc4: {  	s0 =	sor.u32 s3, s0;
	s1 =	sshll.u32 s1, $0x11  }
0xc5: {  	s0 =	sor.u32 s1, s0  }
0xc6: {  	s0 =	sadd.s32 $0x8F2B, s0  }
0xc7: {  	[sflag:s0] =	ssyncadd.remote.s32 $0x1  }
0xc8: {  	_ =	sfence.sel $0xFFFF  }
0xc9: {  	[dreg:$0x0] =	wrdreg $0xFFFFFFFF;
	(pc) =	sbr.abs _section_cstart, $3  }
0xca: {  	[dreg:$0x1] =	wrdreg $0xFFFFFFFF  }
0xcb: {  	_ =	task.clear_ibuf [dreg:s12], $0x2FFFF;
	_ =	strace $0x9FFFFFFF  }
0xcc: {  	(tm) =	ssettm $0x7FFFFFFF  }
0xcd: {  	_ =	shalt  }
tec
execute0_lowered:
.L_overlay_start_1:
0x0: {  	(tag) =	ssettag $0x1  }
0x1: {  	s3 =	rddreg [dreg:$0x1]  }
0x2: {  	s9 =	rddreg [dreg:$0x2]  }
0x3: {  	s0 =	rddreg [dreg:$0x5]  }
0x4: {  	s1 =	rddreg [dreg:$0x6];
	s2 =	srdreg.scid;
	s6 =	simm.s32 $0x0  }
0x5: {  	s16 =	stileid.u32;
	s28 =	simm.s32 $0xAB00;
	s31 =	simm.s32 $0x0  }
0x6: {  	s2 =	sand.u32 $0x1, s2;
	[smem:$0x7FF] =	sst s6;
	s13 =	sshrl.u32 s16, $0x2  }
0x7: {  	s14 =	sand.u32 $0x3, s16;
	s18 =	sadd.s32 $0x100, s3;
	s10 =	sadd.s32 $0x200, s3  }
0x8: {  	s11 =	sadd.s32 $0x100, s9;
	s23 =	sshll.u32 s16, $0x1;
	s7 =	sshll.u32 s2, $0x2  }
0x9: {  	_ =	strace $0x80000047;
	s8 =	smul.u32 $0x18, s14;
	s17 =	sor.u32 s13, s7  }
0xa: {  	[dreg:$0xa] =	wrdreg s18;
	s13 =	sshll.u32 s13, $0xA;
	s19 =	sshll.u32 s17, $0x7  }
0xb: {  	s1 =	sadd.s32 s13, s1;
	s13 =	sadd.s32 s0, s23;
	s0 =	sadd.s32 $0x40, s0  }
0xc: {  	s14 =	sshll.u32 s14, $0x7;
	s15 =	sadd.s32 $0x300, s19;
	[dreg:$0x12] =	wrdreg s0  }
0xd: {  	s12 =	sadd.s32 $0x200, s9;
	s20 =	sadd.s32 s14, s1;
	[dreg:$0x8] =	wrdreg s15  }
0xe: {  	s4 =	ssub.s32 $0x2, s2;
	s21 =	sadd.s32 $0x200, s1;
	[dreg:$0xb] =	wrdreg s20  }
0xf: {  	s25 =	sshll.u32 s2, $0x5;
	s22 =	sadd.s32 $0x280, s1;
	[dreg:$0xc] =	wrdreg s21  }
0x10: {  	s29 =	sor.u32 s2, s16;
	s24 =	sadd.s32 $0x300, s1;
	[dreg:$0xe] =	wrdreg s22  }
0x11: {  	v1 =	vlaneseq.u32;
	v6 =	vimm.s32 $0x0;
	s5 =	sshrl.u32 s4, $0x1;
	s1 =	sadd.s32 $0x380, s1;
	[dreg:$0xf] =	wrdreg s24  }
0x12: {  	vm0 =	vmmov $0xffff;
	v10 =	vimm.s32 $0xF;
	s4 =	ssub.s32 s4, s5;
	s26 =	sadd.s32 s25, s13;
	v2 =	vmov s19;
	[dreg:$0x10] =	wrdreg s1  }
0x13: {  	v5 =	vadd.s32 $0x8, v1;
	v7 =	vand.u32 $0x7, v1;
	v8 =	vshrl.u32 v1, $0x3;
	p0 =	sne.s32 s29, $0x0;
	s30 =	smax.u32 s4, $0x1;
	[dreg:$0x11] =	wrdreg s26  }
0x14: {  	v9 =	vor.u32 $0x8, v1;
	v8 =	vmul.u32 $0x8, v8;
	v0 =	vmov s17;
	s4 =	simm.s32 $0xAC80;
	s3 =	sadd.s32 s14, s21;
	[dreg:$0x13] =	wrdreg s30  }
0x15: {  	v4 =	vadd.s32 s8, v1;
	v5 =	vadd.s32 s8, v5;
	v3 =	vor.u32 $0x80, v0;
	s24 =	simm.s32 $0x1;
	[dreg:$0xd] =	wrdreg s3;
	s3 =	simm.s32 $0x80  }
.LBB2_1:
0x16: {  	s0 =	rddreg [dreg:$0x0];
	s1 =	simm.s32 $0x300  }
0x17: {  	[tilespmem:s1], [sflag:$0x2] =	stream.linear.gather [hbm4b:s0+s6], $0x1800, $0x38;
	[tilespmem:$0xDD80] =	vst v63  }
0x18: {  	[tilespmem:$0x0] =	vst v6  }
0x19: {  	s21 =	rddreg [dreg:$0x3];
	[tilespmem:$0x80] =	vst v6  }
0x1a: {  	[tilespmem:s6], [sflag:$0x1] =	stream.linear.gather [hbm4b:s21+s6], $0x8, $0x38;
	[tilespmem:$0xDD80] =	vst v63  }
0x1b: {  	s22 =	rddreg [dreg:$0x4]  }
0x1c: {  	[tilespmem:s3], [sflag:$0x1] =	stream.linear.gather [hbm4b:s22+s6], $0x8, $0x38;
	[tilespmem:$0xDD80] =	vst v63  }
0x1d: {  	_ =	swait.ge [sflag:s24], $0x8  }
0x1e: {  	[sflag:s24] =	ssyncset.done $0x0  }
0x1f: {  	[sflag:s24] =	ssyncadd.s32 $0xFFFFFFF8  }
0x20: {  	_ =	swait.ge [sflag:s24], $0x8  }
0x21: {  	[sflag:s24] =	ssyncset.done $0x0  }
0x22: {  	[sflag:s24] =	ssyncadd.s32 $0xFFFFFFF8  }
0x23: {  	v11 =	vld [tilespmem:$0x0]  }
0x24: {  	v12 =	vld [tilespmem:$0x80];
	_ =	sdelay $0x3  }
0x25: {  	(xrf0) =	vadd.scan.msk.s32 $0xffff, v11  }
0x26: {  	(xrf0) =	vadd.scan.msk.s32 $0xffff, v12;
	_ =	sdelay $0x4  }
0x27: {  	v13, _, _ =	vpop (xrf0)  }
0x28: {  	v13 =	vsub.s32 v13, v11;
	v14, _, _ =	vpop (xrf0)  }
0x29: {  	[tilespmem:$0x100] =	vst v13;
	v13 =	vsub.s32 v14, v12  }
0x2a: {  	s23 =	simm.s32 $0x100;
	[tilespmem:$0x180] =	vst v13  }
0x2b: {  	v13 =	vld.idx.msk [tilespmem:v0+s23+$0x0], $0xffff;
	_ =	sdelay $0x4  }
0x2c: {  	v15 =	vadd.s32 v4, v13  }
0x2d: {  	v14 =	vld.idx.msk [tilespmem:v3+s23+$0x0], $0xffff;
	v13 =	vadd.s32 v5, v13;
	[tilespmem:$0x200] =	vst v15  }
0x2e: {  	[tilespmem:$0x208] =	vst v13  }
0x2f: {  	v13 =	vld [tilespmem:$0x200];
	_ =	sdelay $0x4  }
0x30: {  	v15 =	vshrl.u32 v13, $0x3  }
0x31: {  	v15 =	vmul.u32 $0x30, v15  }
0x32: {  	v13 =	vand.u32 $0x7, v13  }
0x33: {  	v13 =	vor.u32 v13, v15  }
0x34: {  	v15 =	vperm.xlane v13, v7;
	_ =	sdelay $0x1  }
0x35: {  	v15 =	vadd.s32 v8, v15;
	_ =	sdelay $0x1  }
0x36: {  	v16 =	vadd.s32 v4, v14  }
0x37: {  	v14 =	vadd.s32 v5, v14;
	[tilespmem:$0x280] =	vst v16  }
0x38: {  	s26 =	simm.s32 $0x1B00;
	s25 =	rddreg [dreg:$0x1];
	[tilespmem:$0x288] =	vst v14;
	v13 =	vperm.xlane v13, v9  }
0x39: {  	[tilespmem:s26], [sflag:$0x3] =	stream.indirect_vreg.gather [hbm4b:s25+s6], $0x80, v15, vm0, $0xb8;
	[tilespmem:$0xDD80] =	vst v63  }
0x3a: {  	s2 =	simm.s32 $0x2300;
	s29 =	rddreg [dreg:$0xa];
	v13 =	vadd.s32 v8, v13  }
0x3b: {  	[tilespmem:s2], [sflag:$0x3] =	stream.indirect_vreg.gather [hbm4b:s29+s6], $0x80, v15, vm0, $0xb8;
	[tilespmem:$0xDD80] =	vst v63  }
0x3c: {  	s30 =	simm.s32 $0x2B00  }
0x3d: {  	[tilespmem:s30], [sflag:$0x3] =	stream.indirect_vreg.gather [hbm4b:s10+s6], $0x80, v15, vm0, $0xb8;
	[tilespmem:$0xDD80] =	vst v63  }
0x3e: {  	s3 =	simm.s32 $0x3300  }
0x3f: {  	[tilespmem:s3], [sflag:$0x3] =	stream.indirect_vreg.gather [hbm4b:s25+s6], $0x80, v13, vm0, $0xb8;
	[tilespmem:$0xDD80] =	vst v63  }
0x40: {  	s5 =	simm.s32 $0x3B00  }
0x41: {  	[tilespmem:s5], [sflag:$0x3] =	stream.indirect_vreg.gather [hbm4b:s29+s6], $0x80, v13, vm0, $0xb8;
	[tilespmem:$0xDD80] =	vst v63  }
0x42: {  	s7 =	simm.s32 $0x4300  }
0x43: {  	[tilespmem:s7], [sflag:$0x3] =	stream.indirect_vreg.gather [hbm4b:s10+s6], $0x80, v13, vm0, $0xb8;
	[tilespmem:$0xDD80] =	vst v63  }
0x44: {  	v13 =	vld.msk [tilespmem:$0x210], $0xff;
	_ =	sdelay $0x4  }
0x45: {  	v14 =	vshrl.u32 v13, $0x3  }
0x46: {  	v14 =	vmul.u32 $0x30, v14  }
0x47: {  	v13 =	vand.u32 $0x7, v13  }
0x48: {  	v13 =	vor.u32 v13, v14  }
0x49: {  	v13 =	vperm.xlane v13, v7;
	_ =	sdelay $0x1  }
0x4a: {  	v13 =	vadd.s32 v8, v13;
	_ =	sdelay $0x3  }
0x4b: {  	s9 =	simm.s32 $0x4B00  }
0x4c: {  	[tilespmem:s9], [sflag:$0x3] =	stream.indirect_vreg.gather [hbm4b:s25+s6], $0x80, v13, vm0, $0xb8;
	[tilespmem:$0xDD80] =	vst v63  }
0x4d: {  	s13 =	simm.s32 $0x5300  }
0x4e: {  	[tilespmem:s13], [sflag:$0x3] =	stream.indirect_vreg.gather [hbm4b:s29+s6], $0x80, v13, vm0, $0xb8;
	[tilespmem:$0xDD80] =	vst v63  }
0x4f: {  	s14 =	simm.s32 $0x5B00  }
0x50: {  	[tilespmem:s14], [sflag:$0x3] =	stream.indirect_vreg.gather [hbm4b:s10+s6], $0x80, v13, vm0, $0xb8;
	[tilespmem:$0xDD80] =	vst v63  }
0x51: {  	v13 =	vld [tilespmem:$0x280];
	_ =	sdelay $0x4  }
0x52: {  	v14 =	vshrl.u32 v13, $0x3  }
0x53: {  	v14 =	vmul.u32 $0x30, v14  }
0x54: {  	v13 =	vand.u32 $0x7, v13  }
0x55: {  	v13 =	vor.u32 v13, v14  }
0x56: {  	v14 =	vperm.xlane v13, v7;
	_ =	sdelay $0x1  }
0x57: {  	v14 =	vadd.s32 v8, v14;
	_ =	sdelay $0x3  }
0x58: {  	s16 =	simm.s32 $0x6300;
	s15 =	rddreg [dreg:$0x2];
	v13 =	vperm.xlane v13, v9  }
0x59: {  	[tilespmem:s16], [sflag:$0x4] =	stream.indirect_vreg.gather [hbm4b:s15+s6], $0x80, v14, vm0, $0xb8;
	[tilespmem:$0xDD80] =	vst v63  }
0x5a: {  	s17 =	simm.s32 $0x6B00;
	v13 =	vadd.s32 v8, v13  }
0x5b: {  	[tilespmem:s17], [sflag:$0x4] =	stream.indirect_vreg.gather [hbm4b:s11+s6], $0x80, v14, vm0, $0xb8;
	[tilespmem:$0xDD80] =	vst v63  }
0x5c: {  	s18 =	simm.s32 $0x7300  }
0x5d: {  	[tilespmem:s18], [sflag:$0x4] =	stream.indirect_vreg.gather [hbm4b:s12+s6], $0x80, v14, vm0, $0xb8;
	[tilespmem:$0xDD80] =	vst v63  }
0x5e: {  	s19 =	simm.s32 $0x7B00  }
0x5f: {  	[tilespmem:s19], [sflag:$0x4] =	stream.indirect_vreg.gather [hbm4b:s15+s6], $0x80, v13, vm0, $0xb8;
	[tilespmem:$0xDD80] =	vst v63  }
0x60: {  	s20 =	simm.s32 $0x8300  }
0x61: {  	[tilespmem:s20], [sflag:$0x4] =	stream.indirect_vreg.gather [hbm4b:s11+s6], $0x80, v13, vm0, $0xb8;
	[tilespmem:$0xDD80] =	vst v63  }
0x62: {  	s21 =	simm.s32 $0x8B00  }
0x63: {  	[tilespmem:s21], [sflag:$0x4] =	stream.indirect_vreg.gather [hbm4b:s12+s6], $0x80, v13, vm0, $0xb8;
	[tilespmem:$0xDD80] =	vst v63  }
0x64: {  	v13 =	vld.msk [tilespmem:$0x290], $0xff;
	_ =	sdelay $0x4  }
0x65: {  	v14 =	vshrl.u32 v13, $0x3  }
0x66: {  	v14 =	vmul.u32 $0x30, v14  }
0x67: {  	v13 =	vand.u32 $0x7, v13  }
0x68: {  	v13 =	vor.u32 v13, v14  }
0x69: {  	v13 =	vperm.xlane v13, v7;
	_ =	sdelay $0x1  }
0x6a: {  	v13 =	vadd.s32 v8, v13;
	_ =	sdelay $0x3  }
0x6b: {  	s22 =	simm.s32 $0x9300  }
0x6c: {  	[tilespmem:s22], [sflag:$0x4] =	stream.indirect_vreg.gather [hbm4b:s15+s6], $0x80, v13, vm0, $0xb8;
	[tilespmem:$0xDD80] =	vst v63  }
0x6d: {  	s23 =	simm.s32 $0x9B00  }
0x6e: {  	[tilespmem:s23], [sflag:$0x4] =	stream.indirect_vreg.gather [hbm4b:s11+s6], $0x80, v13, vm0, $0xb8;
	[tilespmem:$0xDD80] =	vst v63  }
0x6f: {  	s26 =	simm.s32 $0x2;
	s25 =	simm.s32 $0xA300  }
0x70: {  	[tilespmem:s25], [sflag:$0x4] =	stream.indirect_vreg.gather [hbm4b:s12+s6], $0x80, v13, vm0, $0xb8;
	[tilespmem:$0xDD80] =	vst v63  }
0x71: {  	_ =	swait.ge [sflag:s26], $0x1800  }
0x72: {  	s30 =	sand.u32 $0x1C00, s6;
	s29 =	sand.u32 $0x40, s6;
	[sflag:s26] =	ssyncset.done $0x0  }
0x73: {  	s2 =	sor.u32 s29, s30;
	[sflag:s26] =	ssyncadd.s32 $0xFFFFE800  }
0x74: {  	v17 =	vld.idx.msk [tilespmem:v2+s2+$0x300 ss:$0x1], $0xffff;
	_ =	sdelay $0x1  }
0x75: {  	v14 =	vld.idx.msk [tilespmem:v2+s2+$0x310 ss:$0x1], $0xffff;
	_ =	sdelay $0x1  }
0x76: {  	s1 =	simm.s32 $0x200;
	s7 =	simm.s32 $0x40;
	v13 =	vld.idx.msk [tilespmem:v2+s2+$0x320 ss:$0x1], $0xffff  }
0x77: {  	v16 =	vimm.f32 $0.0e+00;
	s7 =	sand.u32 $0x40, s7;
	s13 =	sand.u32 $0x1C00, s1;
	v15 =	vld.idx.msk [tilespmem:v2+s2+$0x330 ss:$0x1], $0xffff;
	s2 =	simm.s32 $0x80;
	v17 =	vmul.f32 v17, v17  }
.LBB2_2:
0x78: {  	p1 =	sne.s32 s2, $0x2C0;
	s14 =	sor.u32 s7, s13  }
0x79: {  	v18 =	vld.idx.msk [tilespmem:v2+s14+$0x300 ss:$0x1], $0xffff;
	v16 =	vadd.f32 v17, v16;
	v17 =	vmul.f32 v14, v14;
	_ =	sdelay $0x1  }
.Ltmp0:
0x7a: {  	v14 =	vld.idx.msk [tilespmem:v2+s14+$0x310 ss:$0x1], $0xffff;
	v16 =	vadd.f32 v17, v16;
	v17 =	vmul.f32 v13, v13;
	(pc) =	sbr.rel @p1 .LBB2_2-.Ltmp0, $4  }
0x7b: {  	_ = 	snop  }
0x7c: {  	v19 =	vmul.f32 v15, v15;
	v13 =	vld.idx.msk [tilespmem:v2+s14+$0x320 ss:$0x1], $0xffff;
	v16 =	vadd.f32 v17, v16  }
0x7d: {  	s1 =	sadd.s32 $0x200, s1  }
0x7e: {  	s7 =	sand.u32 $0x40, s2;
	s2 =	sadd.s32 $0x40, s2;
	s13 =	sand.u32 $0x1C00, s1;
	v17 =	vmul.f32 v18, v18;
	v15 =	vld.idx.msk [tilespmem:v2+s14+$0x330 ss:$0x1], $0xffff;
	v16 =	vadd.f32 v19, v16  }
0x7f: {  	_ =	sdelay $0x2  }
0x80: {  	s1 =	sor.u32 s7, s13;
	v14 =	vmul.f32 v14, v14;
	v16 =	vadd.f32 v17, v16  }
0x81: {  	v62 =	vld.idx.msk [tilespmem:v2+s1+$0x300 ss:$0x1], $0xffff  }
0x82: {  	v13 =	vmul.f32 v13, v13;
	v14 =	vadd.f32 v14, v16  }
0x83: {  	v63 =	vld.idx.msk [tilespmem:v2+s1+$0x310 ss:$0x1], $0xffff  }
0x84: {  	v13 =	vadd.f32 v13, v14;
	v14 =	vmul.f32 v15, v15  }
0x85: {  	v15 =	vld.idx.msk [tilespmem:v2+s1+$0x320 ss:$0x1], $0xffff  }
0x86: {  	v17 =	vmul.f32 v62, v62;
	v13 =	vadd.f32 v14, v13  }
0x87: {  	v14 =	vld.idx.msk [tilespmem:v2+s1+$0x330 ss:$0x1], $0xffff  }
0x88: {  	v16 =	vmul.f32 v63, v63;
	v13 =	vadd.f32 v17, v13;
	_ =	sdelay $0x1  }
0x89: {  	v15 =	vmul.f32 v15, v15;
	v13 =	vadd.f32 v16, v13;
	_ =	sdelay $0x1  }
0x8a: {  	v14 =	vmul.f32 v14, v14;
	v13 =	vadd.f32 v15, v13;
	_ =	sdelay $0x1  }
0x8b: {  	v13 =	vadd.f32 v14, v13;
	_ =	sdelay $0x1  }
0x8c: {  	(xrf2) =	vadd.scan.msk.f32 $0xffff, v13;
	_ =	sdelay $0x9  }
0x8d: {  	v13, _, _ =	vpop (xrf2)  }
0x8e: {  	s0 =	simm.s32 $0x3;
	[tilespmem:$0xAC80] =	vst v13  }
0x8f: {  	v13 =	vld.idx.msk [tilespmem:v10+s4+$0x0], $0xffff;
	_ =	swait.ge [sflag:s0], $0x4800  }
0x90: {  	[sflag:s0] =	ssyncset.done $0x0  }
0x91: {  	s30 =	simm.s32 $0x4;
	[sflag:s0] =	ssyncadd.s32 $0xFFFFB800  }
0x92: {  	_ =	swait.ge [sflag:s30], $0x4800  }
0x93: {  	[sflag:s30] =	ssyncset.done $0x0  }
0x94: {  	s2 =	simm.s32 $0x0;
	s7 =	simm.s32 $0x0;
	[sflag:s30] =	ssyncadd.s32 $0xFFFFB800  }
.LBB2_4:
0x95: {  	s1 =	sshrl.u32 s7, $0x1  }
0x96: {  	s1 =	smul.u32 $0x6000, s1  }
0x97: {  	s29 =	sshll.u32 s7, $0x9  }
0x98: {  	s13 =	sand.u32 $0x200, s29;
	s1 =	sshra.s32 s1, $0x2  }
0x99: {  	s1 =	sor.u32 s13, s1  }
0x9a: {  	s23 =	rddreg [dreg:$0x8];
	s1 =	sadd.s32 $0x1B00, s1  }
0x9b: {  	[dreg:$0x9] =	wrdreg s1  }
0x9c: {  	s14 =	sand.u32 $0x1C00, s2;
	s15 =	sand.u32 $0x40, s2;
	s1 =	rddreg [dreg:$0x9]  }
0x9d: {  	s18 =	sor.u32 $0x20, s15;
	s1 =	sadd.s32 s14, s1;
	s14 =	sadd.s32 s14, s23  }
0x9e: {  	s26 =	sor.u32 $0x10, s15;
	s17 =	sadd.s32 s18, s14  }
0x9f: {  	s3 =	sadd.s32 s26, s14;
	v14 =	vld [tilespmem:s17+$0x0]  }
0xa0: {  	s16 =	sadd.s32 $0x80, s1;
	s22 =	sadd.s32 s15, s14;
	v19 =	vld [tilespmem:s3+$0x0]  }
0xa1: {  	s19 =	sadd.s32 $0x100, s1;
	s25 =	sadd.s32 s18, s16;
	v30 =	vld [tilespmem:s22+$0x0]  }
0xa2: {  	s20 =	sadd.s32 $0x180, s1;
	s21 =	sadd.s32 s26, s19;
	v16 =	vld [tilespmem:s25+$0x0]  }
0xa3: {  	s0 =	sadd.s32 s26, s20;
	v18 =	vld [tilespmem:s21+$0x0]  }
0xa4: {  	s4 =	sadd.s32 s26, s16;
	v24 =	vld [tilespmem:s0+$0x0]  }
0xa5: {  	s5 =	sadd.s32 s15, s16;
	v26 =	vld [tilespmem:s4+$0x0]  }
0xa6: {  	s30 =	sadd.s32 s18, s19;
	v21 =	vld [tilespmem:s5+$0x0]  }
0xa7: {  	s9 =	sadd.s32 s15, s19;
	v22 =	vld [tilespmem:s30+$0x0]  }
0xa8: {  	s23 =	sadd.s32 s15, s20;
	v28 =	vld [tilespmem:s9+$0x0]  }
0xa9: {  	v33 =	vld [tilespmem:s23+$0x0];
	v15 =	vmul.f32 v16, v14;
	v17 =	vmul.f32 v18, v18  }
0xaa: {  	v39 =	vimm.f32 $0.0e+00;
	s13 =	sadd.s32 s26, s1;
	v23 =	vmul.f32 v24, v19;
	v20 =	vmul.f32 v26, v19  }
0xab: {  	v44 =	vimm.f32 $0.0e+00;
	v25 =	vld [tilespmem:s13+$0x0];
	s25 =	sadd.s32 s15, s1;
	v27 =	vmul.f32 v21, v21;
	v18 =	vmul.f32 v18, v19  }
0xac: {  	v37 =	vimm.f32 $0.0e+00;
	s26 =	sor.u32 $0x30, s15;
	s30 =	sadd.s32 s18, s20;
	v34 =	vld [tilespmem:s25+$0x0];
	v31 =	vmul.f32 v16, v16;
	v16 =	vmul.f32 v22, v22  }
0xad: {  	v35 =	vimm.f32 $0.0e+00;
	s17 =	sadd.s32 s26, s1;
	s1 =	sadd.s32 s18, s1;
	v36 =	vld [tilespmem:s30+$0x0];
	v42 =	vmul.f32 v21, v30;
	v43 =	vmul.f32 v28, v28  }
0xae: {  	v32 =	vimm.f32 $0.0e+00;
	s13 =	simm.s32 $0x40;
	s15 =	sadd.s32 s26, s16;
	s16 =	sadd.s32 s26, s19;
	v29 =	vld [tilespmem:s1+$0x0];
	v41 =	vmul.f32 v33, v33;
	v40 =	vmul.f32 v26, v26  }
0xaf: {  	s23 =	simm.s32 $0x0;
	s25 =	sadd.s32 s26, s14;
	v21 =	vld [tilespmem:s15+$0x0];
	s15 =	sadd.s32 s26, s20;
	v26 =	vimm.f32 $0.0e+00;
	v38 =	vadd.f32 v27, v39;
	v27 =	vimm.f32 $0.0e+00  }
.LBB2_5:
0xb0: {  	_ = 	snop  }
0xb1: {  	v24 =	vmul.f32 v24, v24;
	s23 =	sadd.s32 $0x200, s23;
	v33 =	vmul.f32 v33, v30;
	v39 =	vadd.f32 v42, v39  }
0xb2: {  	s1 =	rddreg [dreg:$0x9];
	v63 =	vld [tilespmem:s17+$0x0];
	s22 =	smov.u32 s13;
	v28 =	vmul.f32 v28, v30;
	v62 =	vadd.f32 v43, v44;
	v37 =	vadd.f32 v41, v37;
	s26 =	sand.u32 $0x1C00, s23  }
0xb3: {  	v49 =	vld [tilespmem:s15+$0x0];
	v38 =	vadd.f32 v40, v38;
	s15 =	sand.u32 $0x40, s22;
	s19 =	sadd.s32 s26, s1;
	v33 =	vadd.f32 v33, v35  }
0xb4: {  	v48 =	vmul.f32 v22, v14;
	v55 =	vld [tilespmem:s25+$0x0];
	s1 =	sor.u32 $0x20, s15;
	v28 =	vadd.f32 v28, v32;
	s3 =	sadd.s32 $0x80, s19;
	v24 =	vadd.f32 v24, v37  }
0xb5: {  	s14 =	rddreg [dreg:$0x8];
	v53 =	vld [tilespmem:s16+$0x0];
	v31 =	vadd.f32 v31, v38;
	v22 =	vmul.f32 v34, v34;
	v30 =	vmul.f32 v34, v30;
	s30 =	sadd.s32 s1, s3  }
0xb6: {  	s20 =	sadd.s32 s26, s14;
	s0 =	sadd.s32 $0x100, s19;
	v20 =	vadd.f32 v20, v39;
	v50 =	vmul.f32 v36, v36;
	v51 =	vmul.f32 v36, v14;
	s14 =	sadd.s32 s15, s3;
	v56 =	vld [tilespmem:s30+$0x0]  }
0xb7: {  	s16 =	sadd.s32 $0x180, s19;
	v59 =	vadd.f32 v17, v62;
	v52 =	vmul.f32 v21, v21;
	v54 =	vmul.f32 v25, v25;
	s5 =	sadd.s32 s15, s0;
	v60 =	vld [tilespmem:s14+$0x0]  }
0xb8: {  	v19 =	vmul.f32 v25, v19;
	v23 =	vadd.f32 v23, v33;
	s22 =	sadd.s32 s15, s16;
	v18 =	vadd.f32 v18, v28;
	v28 =	vld [tilespmem:s5+$0x0]  }
0xb9: {  	s21 =	sadd.s32 s1, s20;
	v57 =	vmul.f32 v63, v63;
	v58 =	vmul.f32 v63, v55;
	v61 =	vadd.f32 v15, v20;
	v33 =	vld [tilespmem:s22+$0x0]  }
0xba: {  	s17 =	sor.u32 $0x10, s15;
	s4 =	sadd.s32 s1, s0;
	v27 =	vadd.f32 v30, v27;
	v25 =	vadd.f32 v22, v26;
	v26 =	vmul.f32 v29, v14;
	v14 =	vld [tilespmem:s21+$0x0]  }
0xbb: {  	s30 =	sadd.s32 s17, s3;
	v21 =	vmul.f32 v21, v55;
	v16 =	vadd.f32 v16, v59;
	v22 =	vld [tilespmem:s4+$0x0];
	v36 =	vadd.f32 v52, v31  }
0xbc: {  	s26 =	sadd.s32 s17, s0;
	v30 =	vmul.f32 v49, v49;
	v45 =	vld [tilespmem:s30+$0x0];
	v23 =	vadd.f32 v51, v23;
	v19 =	vadd.f32 v19, v27  }
0xbd: {  	s9 =	sadd.s32 s17, s16;
	v31 =	vld [tilespmem:s26+$0x0];
	v18 =	vadd.f32 v48, v18;
	v27 =	vmul.f32 v29, v29;
	v29 =	vadd.f32 v50, v24  }
0xbe: {  	s25 =	sadd.s32 s17, s20;
	v62 =	vmul.f32 v53, v55;
	v25 =	vadd.f32 v54, v25;
	v24 =	vld [tilespmem:s9+$0x0];
	v26 =	vadd.f32 v26, v19  }
0xbf: {  	v19 =	vld [tilespmem:s25+$0x0];
	v37 =	vadd.f32 v30, v29;
	v29 =	vmul.f32 v53, v53;
	v63 =	vmul.f32 v60, v60  }
0xc0: {  	s18 =	sadd.s32 s15, s20;
	v17 =	vadd.f32 v27, v25;
	v43 =	vmul.f32 v28, v28;
	v41 =	vmul.f32 v33, v33  }
0xc1: {  	p1 =	sne.s32 s13, $0x2C0;
	s21 =	sadd.s32 s15, s19;
	v39 =	vadd.f32 v21, v61;
	s9 =	sor.u32 $0x30, s15;
	v30 =	vld [tilespmem:s18+$0x0];
	v25 =	vmul.f32 v56, v14;
	v40 =	vmul.f32 v45, v45  }
.Ltmp1:
0xc2: {  	v34 =	vld [tilespmem:s21+$0x0];
	s3 =	sadd.s32 s9, s3;
	v27 =	vadd.f32 v58, v26;
	v26 =	vadd.f32 v57, v17;
	v17 =	vmul.f32 v49, v55;
	(pc) =	sbr.rel @p1 .LBB2_5-.Ltmp1, $4  }
0xc3: {  	s26 =	sadd.s32 s1, s16;
	v21 =	vld [tilespmem:s3+$0x0];
	v44 =	vadd.f32 v29, v16;
	v16 =	vmul.f32 v22, v22;
	v38 =	vadd.f32 v63, v36  }
0xc4: {  	s1 =	sadd.s32 s1, s19;
	v36 =	vld [tilespmem:s26+$0x0];
	v35 =	vadd.f32 v17, v23;
	v17 =	vmul.f32 v31, v31;
	v23 =	vmul.f32 v24, v19  }
0xc5: {  	s13 =	sadd.s32 $0x40, s13;
	s4 =	sadd.s32 s17, s19;
	v32 =	vadd.f32 v62, v18;
	s17 =	sadd.s32 s9, s19;
	v29 =	vld [tilespmem:s1+$0x0];
	v20 =	vmul.f32 v45, v19;
	v18 =	vmul.f32 v31, v19  }
0xc6: {  	s15 =	sadd.s32 s9, s16;
	s16 =	sadd.s32 s9, s0;
	s25 =	sadd.s32 s9, s20;
	v15 =	vmov v25;
	v25 =	vld [tilespmem:s4+$0x0];
	v31 =	vmul.f32 v56, v56;
	v42 =	vmul.f32 v60, v30  }
0xc7: {  	v24 =	vmul.f32 v24, v24  }
0xc8: {  	v61 =	vadd.f32 v43, v44;
	v33 =	vmul.f32 v33, v30;
	v22 =	vmul.f32 v22, v14  }
0xc9: {  	v37 =	vadd.f32 v41, v37;
	v62 =	vmul.f32 v34, v34;
	v28 =	vmul.f32 v28, v30  }
0xca: {  	v63 =	vld [tilespmem:s17+$0x0];
	v38 =	vadd.f32 v40, v38;
	v45 =	vmul.f32 v34, v30;
	v39 =	vadd.f32 v42, v39  }
0xcb: {  	v47 =	vld [tilespmem:s25+$0x0];
	v57 =	vmul.f32 v21, v21;
	v33 =	vadd.f32 v33, v35;
	v24 =	vadd.f32 v24, v37  }
0xcc: {  	v48 =	vmul.f32 v36, v14;
	v27 =	vadd.f32 v45, v27;
	v19 =	vmul.f32 v25, v19  }
0xcd: {  	v28 =	vadd.f32 v28, v32;
	v26 =	vadd.f32 v62, v26;
	v49 =	vmul.f32 v25, v25  }
0xce: {  	v50 =	vadd.f32 v31, v38;
	v14 =	vmul.f32 v29, v14;
	v19 =	vadd.f32 v19, v27  }
0xcf: {  	v51 =	vld [tilespmem:s16+$0x0];
	v17 =	vadd.f32 v17, v61;
	v52 =	vmul.f32 v29, v29;
	v25 =	vadd.f32 v49, v26  }
0xd0: {  	v20 =	vadd.f32 v20, v39;
	v53 =	vmul.f32 v63, v47;
	v14 =	vadd.f32 v14, v19  }
0xd1: {  	v54 =	vld [tilespmem:s15+$0x0];
	v18 =	vadd.f32 v18, v28;
	v55 =	vmul.f32 v63, v63;
	v25 =	vadd.f32 v52, v25  }
0xd2: {  	v56 =	vmul.f32 v21, v47;
	v15 =	vadd.f32 v15, v20;
	v14 =	vadd.f32 v53, v14  }
0xd3: {  	v46 =	vmul.f32 v36, v36;
	v23 =	vadd.f32 v23, v33;
	v58 =	vadd.f32 v55, v25  }
0xd4: {  	v59 =	vmul.f32 v51, v47;
	v18 =	vadd.f32 v22, v18;
	v15 =	vadd.f32 v56, v15;
	(xrf2) =	vadd.scan.msk.f32 $0xffff, v14  }
0xd5: {  	v16 =	vadd.f32 v16, v17;
	v60 =	vmul.f32 v51, v51;
	v14 =	vadd.f32 v57, v50;
	(xrf2) =	vadd.scan.msk.f32 $0xffff, v58  }
0xd6: {  	v62 =	vmul.f32 v54, v47;
	v61 =	vadd.f32 v48, v23;
	v18 =	vadd.f32 v59, v18;
	(xrf2) =	vadd.scan.msk.f32 $0xffff, v15  }
0xd7: {  	v63 =	vadd.f32 v46, v24;
	v16 =	vadd.f32 v60, v16;
	v15 =	vmul.f32 v54, v54;
	(xrf2) =	vadd.scan.msk.f32 $0xffff, v14  }
0xd8: {  	v14 =	vadd.f32 v62, v61;
	(xrf2) =	vadd.scan.msk.f32 $0xffff, v18  }
0xd9: {  	v15 =	vadd.f32 v15, v63;
	(xrf2) =	vadd.scan.msk.f32 $0xffff, v16  }
0xda: {  	(xrf2) =	vadd.scan.msk.f32 $0xffff, v14  }
0xdb: {  	(xrf2) =	vadd.scan.msk.f32 $0xffff, v15;
	_ =	sdelay $0x2  }
0xdc: {  	v14, _, _ =	vpop (xrf2)  }
0xdd: {  	v15, _, _ =	vpop (xrf2);
	[tilespmem:s29+$0xAC80] =	vst v14  }
0xde: {  	s7 =	sadd.s32 $0x1, s7;
	v14, _, _ =	vpop (xrf2);
	[tilespmem:s29+$0xC480] =	vst v15  }
0xdf: {  	p1 =	sne.s32 s7, $0xC;
	v15, _, _ =	vpop (xrf2);
	[tilespmem:s29+$0xAD00] =	vst v14  }
.Ltmp2:
0xe0: {  	v14, _, _ =	vpop (xrf2);
	[tilespmem:s29+$0xC500] =	vst v15;
	(pc) =	sbr.rel @p1 .LBB2_4-.Ltmp2, $4  }
0xe1: {  	v15, _, _ =	vpop (xrf2);
	[tilespmem:s29+$0xAD80] =	vst v14  }
0xe2: {  	v14, _, _ =	vpop (xrf2);
	[tilespmem:s29+$0xC580] =	vst v15  }
0xe3: {  	[tilespmem:s29+$0xAE00] =	vst v14;
	v14, _, _ =	vpop (xrf2)  }
0xe4: {  	[tilespmem:s29+$0xC600] =	vst v14  }
0xe5: {  	v14 =	vmul.u32 $0x80, v1;
	_ =	sdelay $0x1  }
0xe6: {  	v15 =	vor.u32 $0xF, v14;
	_ =	sdelay $0x3  }
0xe7: {  	s0 =	simm.s32 $0xC480  }
0xe8: {  	v16 =	vld.idx.msk [tilespmem:v15+s0+$0x0], $0xffff;
	_ =	sdelay $0x4  }
0xe9: {  	v16 =	vmax.f32 v16, $1.000000020e-16  }
0xea: {  	v17 =	vshra.s32 v16, $0x1;
	v16 =	vmul.f32 $5.000000000e-01, v16  }
0xeb: {  	v13 =	vmax.f32 v13, $1.000000020e-16;
	v17 =	vsub.s32 $0x5F3759DF, v17  }
0xec: {  	v18 =	vshra.s32 v13, $0x1;
	v13 =	vmul.f32 $5.000000000e-01, v13;
	v19 =	vmul.f32 v17, v16  }
0xed: {  	v18 =	vsub.s32 $0x5F3759DF, v18  }
0xee: {  	v20 =	vmul.f32 v18, v13;
	v19 =	vmul.f32 v17, v19;
	_ =	sdelay $0x1  }
0xef: {  	v20 =	vmul.f32 v18, v20;
	v19 =	vsub.f32 $1.500000000e+00, v19;
	_ =	sdelay $0x1  }
0xf0: {  	v20 =	vsub.f32 $1.500000000e+00, v20;
	v17 =	vmul.f32 v17, v19;
	_ =	sdelay $0x1  }
0xf1: {  	v18 =	vmul.f32 v18, v20;
	v19 =	vmul.f32 v17, v16;
	_ =	sdelay $0x1  }
0xf2: {  	v20 =	vmul.f32 v18, v13;
	v19 =	vmul.f32 v19, v17;
	_ =	sdelay $0x1  }
0xf3: {  	v20 =	vmul.f32 v20, v18;
	v19 =	vsub.f32 $1.500000000e+00, v19;
	_ =	sdelay $0x1  }
0xf4: {  	v20 =	vsub.f32 $1.500000000e+00, v20;
	v17 =	vmul.f32 v19, v17;
	_ =	sdelay $0x1  }
0xf5: {  	v18 =	vmul.f32 v20, v18;
	v16 =	vmul.f32 v17, v16;
	_ =	sdelay $0x1  }
0xf6: {  	s4 =	simm.s32 $0xAC80;
	v13 =	vmul.f32 v18, v13;
	v16 =	vmul.f32 v16, v17  }
0xf7: {  	v15 =	vld.idx.msk [tilespmem:v15+s4+$0x0], $0xffff  }
0xf8: {  	v13 =	vmul.f32 v13, v18;
	v16 =	vsub.f32 $1.500000000e+00, v16;
	_ =	sdelay $0x1  }
0xf9: {  	v13 =	vsub.f32 $1.500000000e+00, v13;
	v16 =	vmul.f32 v16, v17;
	_ =	sdelay $0x1  }
0xfa: {  	v13 =	vmul.f32 v13, v18;
	v15 =	vmul.f32 v16, v15;
	_ =	sdelay $0x1  }
0xfb: {  	v16 =	vor.u32 $0x80F, v14;
	v15 =	vmul.f32 v15, v13;
	_ =	sdelay $0x1  }
0xfc: {  	v15 =	vsub.f32 $1.000000000e+00, v15;
	_ =	sdelay $0x1  }
0xfd: {  	[tilespmem:$0xAB00] =	vst v15  }
0xfe: {  	v15 =	vld.idx.msk [tilespmem:v16+s0+$0x0], $0xffff;
	_ =	sdelay $0x4  }
0xff: {  	v15 =	vmax.f32 v15, $1.000000020e-16  }
0x100: {  	v17 =	vshra.s32 v15, $0x1;
	v15 =	vmul.f32 $5.000000000e-01, v15  }
0x101: {  	v17 =	vsub.s32 $0x5F3759DF, v17  }
0x102: {  	v18 =	vmul.f32 v17, v15;
	_ =	sdelay $0x1  }
0x103: {  	v18 =	vmul.f32 v17, v18;
	_ =	sdelay $0x1  }
0x104: {  	v18 =	vsub.f32 $1.500000000e+00, v18;
	_ =	sdelay $0x1  }
0x105: {  	v17 =	vmul.f32 v17, v18;
	_ =	sdelay $0x1  }
0x106: {  	v18 =	vmul.f32 v17, v15;
	_ =	sdelay $0x1  }
0x107: {  	v18 =	vmul.f32 v18, v17;
	_ =	sdelay $0x1  }
0x108: {  	v18 =	vsub.f32 $1.500000000e+00, v18;
	_ =	sdelay $0x1  }
0x109: {  	v17 =	vmul.f32 v18, v17;
	_ =	sdelay $0x1  }
0x10a: {  	v15 =	vmul.f32 v17, v15;
	_ =	sdelay $0x1  }
0x10b: {  	v15 =	vmul.f32 v15, v17  }
0x10c: {  	v16 =	vld.idx.msk [tilespmem:v16+s4+$0x0], $0xffff  }
0x10d: {  	v15 =	vsub.f32 $1.500000000e+00, v15;
	_ =	sdelay $0x1  }
0x10e: {  	v15 =	vmul.f32 v15, v17;
	_ =	sdelay $0x1  }
0x10f: {  	v15 =	vmul.f32 v15, v16;
	_ =	sdelay $0x1  }
0x110: {  	v14 =	vor.u32 $0x100F, v14;
	v15 =	vmul.f32 v15, v13;
	_ =	sdelay $0x1  }
0x111: {  	v15 =	vsub.f32 $1.000000000e+00, v15;
	_ =	sdelay $0x1  }
0x112: {  	[tilespmem:$0xAB10] =	vst v15  }
0x113: {  	v15 =	vld.idx.msk [tilespmem:v14+s0+$0x0], $0xffff;
	_ =	sdelay $0x4  }
0x114: {  	v15 =	vmax.f32 v15, $1.000000020e-16  }
0x115: {  	v16 =	vshra.s32 v15, $0x1;
	v15 =	vmul.f32 $5.000000000e-01, v15  }
0x116: {  	v16 =	vsub.s32 $0x5F3759DF, v16  }
0x117: {  	v17 =	vmul.f32 v16, v15;
	_ =	sdelay $0x1  }
0x118: {  	v17 =	vmul.f32 v16, v17;
	_ =	sdelay $0x1  }
0x119: {  	v17 =	vsub.f32 $1.500000000e+00, v17;
	_ =	sdelay $0x1  }
0x11a: {  	v16 =	vmul.f32 v16, v17;
	_ =	sdelay $0x1  }
0x11b: {  	v17 =	vmul.f32 v16, v15;
	_ =	sdelay $0x1  }
0x11c: {  	v17 =	vmul.f32 v17, v16;
	_ =	sdelay $0x1  }
0x11d: {  	v17 =	vsub.f32 $1.500000000e+00, v17;
	_ =	sdelay $0x1  }
0x11e: {  	v16 =	vmul.f32 v17, v16;
	_ =	sdelay $0x1  }
0x11f: {  	v15 =	vmul.f32 v16, v15;
	_ =	sdelay $0x1  }
0x120: {  	v15 =	vmul.f32 v15, v16  }
0x121: {  	v14 =	vld.idx.msk [tilespmem:v14+s4+$0x0], $0xffff  }
0x122: {  	v15 =	vsub.f32 $1.500000000e+00, v15;
	_ =	sdelay $0x1  }
0x123: {  	v15 =	vmul.f32 v15, v16;
	_ =	sdelay $0x1  }
0x124: {  	v14 =	vmul.f32 v15, v14;
	_ =	sdelay $0x1  }
0x125: {  	v13 =	vmul.f32 v14, v13;
	_ =	sdelay $0x1  }
0x126: {  	v13 =	vsub.f32 $1.000000000e+00, v13;
	_ =	sdelay $0x1  }
0x127: {  	s16 =	rddreg [dreg:$0xb];
	[tilespmem:$0xAB20] =	vst v13  }
0x128: {  	[spmem:s16] =	stream.linear.scatter [tilespmem:s28], [sflag:$0x1], $0x18, $0x38;
	[tilespmem:$0xDD80] =	vst v63  }
0x129: {  	s17 =	rddreg [dreg:$0xd];
	s1 =	simm.s32 $0xAB18  }
0x12a: {  	[spmem:s17] =	stream.linear.scatter [tilespmem:s1], [sflag:$0x1], $0x18, $0x38;
	[tilespmem:$0xDD80] =	vst v63  }
0x12b: {  	_ =	swait.ge [sflag:s24], $0x18  }
0x12c: {  	[sflag:s24] =	ssyncset.done $0x0  }
0x12d: {  	[sflag:s24] =	ssyncadd.s32 $0xFFFFFFE8  }
0x12e: {  	_ =	swait.ge [sflag:s24], $0x18  }
0x12f: {  	[sflag:s24] =	ssyncset.done $0x0  }
0x130: {  	[sflag:s24] =	ssyncadd.s32 $0xFFFFFFE8  }
0x131: {  	[bflag:$0x0] =	sbarrier.arrive $0xFFFF  }
0x132: {  	s19 =	simm.s32 $0xAB80;
	s18 =	rddreg [dreg:$0xc]  }
0x133: {  	[tilespmem:s19], [sflag:$0x1] =	stream.linear.gather [spmem:s18], $0x18, $0x38;
	[tilespmem:$0xDD80] =	vst v63  }
0x134: {  	s21 =	simm.s32 $0xAB98;
	s20 =	rddreg [dreg:$0xe]  }
0x135: {  	[tilespmem:s21], [sflag:$0x1] =	stream.linear.gather [spmem:s20], $0x18, $0x38;
	[tilespmem:$0xDD80] =	vst v63  }
0x136: {  	s23 =	simm.s32 $0xABB0;
	s22 =	rddreg [dreg:$0xf]  }
0x137: {  	[tilespmem:s23], [sflag:$0x1] =	stream.linear.gather [spmem:s22], $0x18, $0x38;
	[tilespmem:$0xDD80] =	vst v63  }
0x138: {  	s26 =	simm.s32 $0xABC8;
	s25 =	rddreg [dreg:$0x10]  }
0x139: {  	[tilespmem:s26], [sflag:$0x1] =	stream.linear.gather [spmem:s25], $0x18, $0x38;
	[tilespmem:$0xDD80] =	vst v63  }
0x13a: {  	_ =	swait.ge [sflag:s24], $0x18  }
0x13b: {  	[sflag:s24] =	ssyncset.done $0x0  }
0x13c: {  	[sflag:s24] =	ssyncadd.s32 $0xFFFFFFE8  }
0x13d: {  	_ =	swait.ge [sflag:s24], $0x18  }
0x13e: {  	[sflag:s24] =	ssyncset.done $0x0  }
0x13f: {  	[sflag:s24] =	ssyncadd.s32 $0xFFFFFFE8  }
0x140: {  	_ =	swait.ge [sflag:s24], $0x18  }
0x141: {  	s29 =	simm.s32 $0x0;
	[sflag:s24] =	ssyncset.done $0x0  }
0x142: {  	v13 =	vmov s29;
	[sflag:s24] =	ssyncadd.s32 $0xFFFFFFE8  }
0x143: {  	_ =	swait.ge [sflag:s24], $0x18  }
0x144: {  	[sflag:s24] =	ssyncset.done $0x0  }
0x145: {  	s3 =	simm.s32 $0x80;
	[sflag:s24] =	ssyncadd.s32 $0xFFFFFFE8  }
0x146: {  	v15 =	vld.idx.msk [tilespmem:v0+s3+$0x0], $0xffff  }
0x147: {  	v14 =	vld.idx.msk [tilespmem:v13+s28+$0x0], $0xffff  }
0x148: {  	v17 =	vld [tilespmem:$0xAB80]  }
0x149: {  	v18 =	vld [tilespmem:$0xAB90];
	_ =	sdelay $0x1  }
0x14a: {  	v13 =	vld.idx.msk [tilespmem:v0+s29+$0x0], $0xffff  }
0x14b: {  	v21 =	vor.u32 $0x30, v1;
	v22 =	vor.u32 $0x20, v1  }
0x14c: {  	v23 =	vor.u32 $0x10, v1;
	v20 =	vimm.f32 $0.0e+00;
	v24 =	vld [tilespmem:$0xABA0];
	v17 =	vsub.f32 v14, v17  }
0x14d: {  	s30 =	sadd.s32 $0x0, s8;
	v19 =	vor.u32 $0x40, v1;
	v25 =	vld [tilespmem:$0xABB0];
	vm4 =	vgt.s32 v15, v1;
	v18 =	vsub.f32 v14, v18  }
0x14e: {  	vm1 =	vgt.s32 v15, v19;
	v19 =	vmov s30;
	v17 =	vadd.f32 $1.000000000e+00, v17  }
0x14f: {  	vm2 =	vgt.s32 v15, v21;
	vm7 =	vlt.s32 v19, v13;
	v21 =	vadd.f32 $1.000000000e+00, v18;
	v18 =	vld [tilespmem:$0xABC0]  }
0x150: {  	vm3 =	vgt.s32 v15, v22;
	vm6 =	vmand vm7, vm4;
	v17 =	vmax.f32 v17, $0.0e+00  }
0x151: {  	s2 =	simm.s32 $0x1;
	vm5 =	vgt.s32 v15, v23;
	v23 =	vsub.f32 v14, v24;
	v22 =	vnsel vm6, $0x0, v17;
	v17 =	vld [tilespmem:$0xABD0]  }
0x152: {  	v16 =	vmov s2;
	v19 =	vsub.f32 v14, v25;
	vm8 =	vmand vm7, vm5  }
0x153: {  	s7 =	simm.s32 $0x2;
	v20 =	vadd.f32 v22, v20;
	v22 =	vmax.f32 v21, $0.0e+00;
	v21 =	vadd.f32 $1.000000000e+00, v23  }
.LBB2_8:
0x154: {  	p1 =	sne.s32 s7, $0x17;
	v22 =	vnsel vm8, $0x0, v22;
	vm6 =	vmand vm7, vm3;
	v18 =	vsub.f32 v14, v18  }
0x155: {  	v19 =	vadd.f32 $1.000000000e+00, v19;
	v20 =	vadd.f32 v22, v20;
	v21 =	vmax.f32 v21, $0.0e+00  }
0x156: {  	v21 =	vnsel vm6, $0x0, v21;
	vm6 =	vmand vm7, vm2;
	v17 =	vsub.f32 v14, v17  }
0x157: {  	v19 =	vmax.f32 v19, $0.0e+00;
	v18 =	vadd.f32 $1.000000000e+00, v18;
	v20 =	vadd.f32 v21, v20  }
0x158: {  	vm8 =	vmand vm7, vm1;
	v19 =	vnsel vm6, $0x0, v19;
	v14 =	vld.idx.msk [tilespmem:v16+s28+$0x0], $0xffff;
	v16 =	vor.u32 $0x50, v1  }
0x159: {  	v18 =	vmax.f32 v18, $0.0e+00;
	v17 =	vadd.f32 $1.000000000e+00, v17;
	v21 =	vld [tilespmem:$0xAB80];
	v19 =	vadd.f32 v19, v20  }
0x15a: {  	vm6 =	vgt.s32 v15, v16;
	v16 =	vnsel vm8, $0x0, v18  }
0x15b: {  	v17 =	vmax.f32 v17, $0.0e+00;
	vm7 =	vmand vm7, vm6;
	v18 =	vld [tilespmem:$0xAB90];
	v16 =	vadd.f32 v16, v19  }
0x15c: {  	v17 =	vnsel vm7, $0x0, v17  }
0x15d: {  	v19 =	vld [tilespmem:$0xABA0];
	v20 =	vadd.f32 v17, v16  }
0x15e: {  	s0 =	sadd.s32 s2, s8;
	s2 =	smov.u32 s7;
	v16 =	vmov s7;
	v17 =	vsub.f32 v14, v21;
	v21 =	vld [tilespmem:$0xABB0]  }
0x15f: {  	v22 =	vmov s0  }
.Ltmp3:
0x160: {  	vm7 =	vlt.s32 v22, v13;
	v17 =	vadd.f32 $1.000000000e+00, v17;
	v22 =	vsub.f32 v14, v18;
	v18 =	vld [tilespmem:$0xABC0];
	(pc) =	sbr.rel @p1 .LBB2_8-.Ltmp3, $4  }
0x161: {  	vm8 =	vmand vm7, vm4  }
0x162: {  	v23 =	vmax.f32 v17, $0.0e+00;
	v22 =	vadd.f32 $1.000000000e+00, v22;
	v24 =	vsub.f32 v14, v19;
	v17 =	vld [tilespmem:$0xABD0]  }
0x163: {  	v23 =	vnsel vm8, $0x0, v23;
	vm8 =	vmand vm7, vm5;
	v19 =	vsub.f32 v14, v21  }
0x164: {  	s7 =	sadd.s32 $0x1, s7;
	v20 =	vadd.f32 v23, v20;
	v22 =	vmax.f32 v22, $0.0e+00;
	v21 =	vadd.f32 $1.000000000e+00, v24  }
0x165: {  	_ =	sdelay $0x3  }
0x166: {  	v15 =	vnsel vm8, $0x0, v22;
	vm14 =	vmand vm7, vm3;
	v16 =	vld.idx.msk [tilespmem:v16+s28+$0x0], $0xffff  }
0x167: {  	v18 =	vsub.f32 v14, v18;
	v19 =	vadd.f32 $1.000000000e+00, v19;
	vm15 =	vmand vm7, vm2;
	v38 =	vld [tilespmem:$0xAB80]  }
0x168: {  	v41 =	vld [tilespmem:$0xAB90];
	vm12 =	vmand vm7, vm1;
	v21 =	vmax.f32 v21, $0.0e+00;
	v15 =	vadd.f32 v15, v20  }
0x169: {  	vm13 =	vmand vm7, vm6;
	v37 =	vnsel vm14, $0x0, v21;
	v39 =	vsub.f32 v14, v17  }
0x16a: {  	v43 =	vld [tilespmem:$0xABA0];
	s0 =	sadd.s32 s2, s8;
	v40 =	vmax.f32 v19, $0.0e+00;
	v18 =	vadd.f32 $1.000000000e+00, v18;
	v15 =	vadd.f32 v37, v15  }
0x16b: {  	v46 =	vmov s0;
	v17 =	vnsel vm15, $0x0, v40;
	v14 =	vadd.f32 $1.000000000e+00, v39  }
0x16c: {  	v45 =	vld [tilespmem:$0xABB0];
	v18 =	vmax.f32 v18, $0.0e+00;
	v15 =	vadd.f32 v17, v15;
	v44 =	vsub.f32 v16, v38  }
0x16d: {  	vm14 =	vlt.s32 v46, v13;
	v42 =	vnsel vm12, $0x0, v18;
	v48 =	vsub.f32 v16, v41  }
0x16e: {  	v49 =	vld [tilespmem:$0xABC0];
	v14 =	vmax.f32 v14, $0.0e+00;
	v15 =	vadd.f32 v42, v15;
	v47 =	vadd.f32 $1.000000000e+00, v44  }
0x16f: {  	vm4 =	vmand vm14, vm4;
	v51 =	vsub.f32 v16, v43;
	v14 =	vnsel vm13, $0x0, v14  }
0x170: {  	v52 =	vld [tilespmem:$0xABD0];
	v50 =	vadd.f32 $1.000000000e+00, v48;
	v14 =	vadd.f32 v14, v15;
	v13 =	vmax.f32 v47, $0.0e+00  }
0x171: {  	vm15 =	vmand vm14, vm5;
	v53 =	vsub.f32 v16, v45;
	v13 =	vnsel vm4, $0x0, v13  }
0x172: {  	v55 =	vadd.f32 $1.000000000e+00, v51;
	v54 =	vmax.f32 v50, $0.0e+00;
	v13 =	vadd.f32 v13, v14  }
0x173: {  	vm3 =	vmand vm14, vm3;
	v56 =	vsub.f32 v16, v49;
	v14 =	vnsel vm15, $0x0, v54  }
0x174: {  	v58 =	vadd.f32 $1.000000000e+00, v53;
	v57 =	vmax.f32 v55, $0.0e+00;
	v13 =	vadd.f32 v14, v13  }
0x175: {  	vm2 =	vmand vm14, vm2;
	v16 =	vsub.f32 v16, v52;
	v14 =	vnsel vm3, $0x0, v57  }
0x176: {  	v60 =	vadd.f32 $1.000000000e+00, v56;
	v59 =	vmax.f32 v58, $0.0e+00;
	v13 =	vadd.f32 v14, v13  }
0x177: {  	vm1 =	vmand vm14, vm1;
	v14 =	vnsel vm2, $0x0, v59  }
0x178: {  	v62 =	vadd.f32 $1.000000000e+00, v16;
	v61 =	vmax.f32 v60, $0.0e+00;
	v13 =	vadd.f32 v14, v13  }
0x179: {  	v14 =	vnsel vm1, $0x0, v61  }
0x17a: {  	v63 =	vmax.f32 v62, $0.0e+00;
	vm1 =	vmand vm14, vm6;
	v13 =	vadd.f32 v14, v13  }
0x17b: {  	v14 =	vnsel vm1, $0x0, v63  }
0x17c: {  	v13 =	vadd.f32 v14, v13;
	_ =	sdelay $0x1  }
0x17d: {  	s26 =	rddreg [dreg:$0x11];
	s1 =	simm.s32 $0xAC00;
	s29 =	simm.s32 $0x5;
	[tilespmem:$0xAC00] =	vst v13  }
0x17e: {  	v11 =	vmul.u32 @!p0 v11, v12;
	[hbm4b:s26+s6] =	stream.linear.scatter [tilespmem:s1], [sflag:$0x5], $0x10, $0x38;
	[tilespmem:$0xDD80] =	vst v63  }
0x17f: {  	_ =	swait.ge [sflag:s29], $0x10  }
0x180: {  	v11 =	vcvt.s32.f32 @!p0 v11;
	[sflag:s29] =	ssyncset.done $0x0  }
0x181: {  	[sflag:s29] =	ssyncadd.s32 $0xFFFFFFF0  }
0x182: {  	s0 =	simm.s32 @!p0 $0x0;
	s1 =	simm.s32 @!p0 $0xAC00;
	s2 =	rddreg [dreg:$0x12];
	[tilespmem:$0xAC00] =	vst @!p0 v11  }
0x183: {  	[hbm4b:s2+s0] =	stream.linear.scatter @!p0 [tilespmem:s1], [sflag:$0x5], $0x10, $0x38;
	[tilespmem:$0xDD80] =	vst v63  }
0x184: {  	s0 =	simm.s32 @!p0 $0x5  }
0x185: {  	_ =	swait.ge @!p0 [sflag:s0], $0x10  }
0x186: {  	s31 =	sadd.s32 $0x1, s31;
	s30 =	rddreg [dreg:$0x13]  }
0x187: {  	p1 =	sne.s32 s31, s30  }
.Ltmp4:
0x188: {  	_ = 	snop;
	(pc) =	sbr.rel @p1 .LBB2_1-.Ltmp4, $3  }
0x189: {  	_ =	sdelay $0x1  }
0x18a: {  	[sflag:s0] =	ssyncset.done @!p0 $0x0  }
0x18b: {  	[sflag:s0] =	ssyncadd.s32 @!p0 $0xFFFFFFF0  }
0x18c: {  	_ =	sfence.sel $0x180000  }
0x18d: {  	[bflag:$0x0] =	sbarrier.arrive $0xFFFF  }
0x18e: {  	_ =	strace $0x90000047  }
0x18f: {  	s0 =	stileid.u32;
	[bflag:$0x2] =	sbarrier.arrive $0xFFFF  }
0x190: {  	p0 =	sne.s32 s0, $0x0;
	s0 =	rddreg [dreg:$0x7]  }
0x191: {  	s0 =	sadd.s32 @!p0 $0x100000, s0  }
0x192: {  	[sflag:s0] =	ssyncadd.tile.s32 @!p0 $0x1;
	_ =	shalt  }
.Lfunc_end2:
_tile_overlayer_lowered:
.L_overlay_start_2:
0x193: {  	(tag) =	ssettag $0x2  }
0x194: {  	s0 =	rddreg [dreg:$0x0];
	s2 =	stileid.u32  }
0x195: {  	s1 =	rddreg [dreg:$0x1];
	p0 =	sne.s32 s2, $0x0  }
0x196: {  	s3 =	rddreg [dreg:$0x2];
	[bflag:$0x3] =	sbarrier.arrive $0xFFFF;
	s2 =	simm.s32 @!p0 $0x1C05  }
0x197: {  	[timem:s3], [sflag:s2] =	dma.local @!p0 [hbm:s0], s1  }
0x198: {  	s0 =	simm.s32 @!p0 $0x5  }
0x199: {  	_ =	swait.ge @!p0 [sflag:s0], s1  }
0x19a: {  	s1 =	ssub.s32 @!p0 $0x0, s1;
	[sflag:s0] =	ssyncset.done @!p0 $0x0  }
0x19b: {  	[sflag:s0] =	ssyncadd.s32 @!p0 s1  }
0x19c: {  	[bflag:$0x3] =	sbarrier.arrive $0xFFFF  }
0x19d: {  	_ =	shalt  }

</sc_bundles>
